<compile_context>
chip_gen: v7x
topology: tpu7x:2x2x1
jax: 0.10.2.dev20260603
libtpu: 0.0.44.dev20260713+nightly
codegen_flags: <defaults>
</compile_context>

<pallas_src>
import functools

import jax
import jax.numpy as jnp
from jax import lax
from jax.experimental import pallas as pl
from jax.experimental.pallas import tpu as pltpu
from jax.experimental.pallas import tpu_sc as plsc

MAX_LEN = 8192
EMBED = 1024
B_TOTAL = 4 * 4096

NC = 2
NS = 16
NW = NC * NS

B_PER_W = B_TOTAL // NW
CHUNK = 32
NCHUNK = B_PER_W // CHUNK
NBUF = 3


def _make_gather():
  mesh = plsc.VectorSubcoreMesh(core_axis_name="c", subcore_axis_name="s")

  @functools.partial(
      pl.kernel,
      mesh=mesh,
      out_type=jax.ShapeDtypeStruct((B_TOTAL, EMBED), jnp.float32),
      scratch_types=[
          pltpu.VMEM((B_PER_W,), jnp.int32),
      ]
      + [pltpu.VMEM((CHUNK, EMBED), jnp.float32)] * NBUF
      + [pltpu.SemaphoreType.DMA] * (2 * NBUF),
  )
  def gather_kernel(x_hbm, table_hbm, out_hbm, idx_v, *bufs_and_sems):
    bufs = bufs_and_sems[:NBUF]
    gsems = bufs_and_sems[NBUF:2 * NBUF]
    osems = bufs_and_sems[2 * NBUF:]
    wid = lax.axis_index("s") * NC + lax.axis_index("c")
    base = wid * B_PER_W
    pltpu.sync_copy(x_hbm.at[pl.ds(base, B_PER_W)], idx_v)

    def gather(c, b):
      return pltpu.async_copy(
          table_hbm.at[idx_v.at[pl.ds(c * CHUNK, CHUNK)]], bufs[b], gsems[b])

    def write(c, b):
      return pltpu.async_copy(
          bufs[b], out_hbm.at[pl.ds(base + c * CHUNK, CHUNK)], osems[b])

    gathers = [None] * NBUF
    writes = [None] * NBUF
    for c in range(min(NBUF, NCHUNK)):
      gathers[c] = gather(c, c)
    for c in range(NCHUNK):
      b = c % NBUF
      if c >= 1:
        p = c - 1 + NBUF
        if p < NCHUNK:
          bp = (c - 1) % NBUF
          writes[bp].wait()
          gathers[bp] = gather(p, bp)
      gathers[b].wait()
      writes[b] = write(c, b)
    for c in range(max(0, NCHUNK - NBUF), NCHUNK):
      writes[c % NBUF].wait()

  return gather_kernel


_gather = _make_gather()


@jax.jit
def kernel(x, P):
  out = _gather(x.reshape(-1), P)
  return out.reshape(x.shape + (EMBED,))

# --- scband reference (transcript-rebuilt; emitter-appended) ---
"""Pipeline reference for scband-positional-encoding-32040456028168 (READ-ONLY COPY).

The authoritative reference and input builder live on the scoring server;
editing this copy changes nothing except your own understanding.
"""

import jax, jax.numpy as jnp
import numpy as np

MAX_LEN = 8192
EMBED_SIZE = 1024

def make_P(max_len, embed_size):
    pos = jnp.arange(max_len, dtype=jnp.float32).reshape(-1, 1)
    div = jnp.power(10000.0, jnp.arange(0, embed_size, 2, dtype=jnp.float32) / embed_size)
    X = pos / div
    P = jnp.zeros((max_len, embed_size), dtype=jnp.float32)
    P = P.at[:, 0::2].set(jnp.sin(X))
    P = P.at[:, 1::2].set(jnp.cos(X))
    return P

def setup_inputs(seed: int = 0) -> dict:
    key = jax.random.key(seed)
    x = jax.random.randint(key, (4, 4096), 0, MAX_LEN, dtype=jnp.int32)
    P = make_P(MAX_LEN, EMBED_SIZE)
    return {"x": x, "P": P}

def reference(x, P):
    # faithful translation of PositionalEncoding.forward: gather rows of learned P by index x
    return P[x]

if __name__ == "__main__":
    import jax
    _d = setup_inputs()
    print(jax.jit(kernel)(*tuple(_d.values())))

</pallas_src>

<mosaic_0001>
#map = affine_map<(d0, d1) -> (0)>
#map1 = affine_map<(d0, d1) -> (0, 0)>
module attributes {stable_mosaic.version = 14 : i64} {
  func.func @gather_kernel(%arg0: i32, %arg1: i32, %arg2: memref<16384xi32, #tpu.memory_space<hbm>>, %arg3: memref<8192x1024xf32, #tpu.memory_space<hbm>>, %arg4: memref<16384x1024xf32, #tpu.memory_space<hbm>>, %arg5: memref<512xi32, #tpu.memory_space<vmem>>, %arg6: memref<32x1024xf32, #tpu.memory_space<vmem>>, %arg7: memref<32x1024xf32, #tpu.memory_space<vmem>>, %arg8: memref<32x1024xf32, #tpu.memory_space<vmem>>, %arg9: memref<!tpu.dma_semaphore, #tpu.memory_space<semaphore_mem>>, %arg10: memref<!tpu.dma_semaphore, #tpu.memory_space<semaphore_mem>>, %arg11: memref<!tpu.dma_semaphore, #tpu.memory_space<semaphore_mem>>, %arg12: memref<!tpu.dma_semaphore, #tpu.memory_space<semaphore_mem>>, %arg13: memref<!tpu.dma_semaphore, #tpu.memory_space<semaphore_mem>>, %arg14: memref<!tpu.dma_semaphore, #tpu.memory_space<semaphore_mem>>) attributes {dimension_semantics = [#tpu.dimension_semantics<core_parallel>, #tpu.dimension_semantics<subcore_parallel>], iteration_bounds = array<i64: 2, 16>, scalar_prefetch = 0 : i64, scratch_operands = 10 : i64, tpu.core_type = #tpu.core_type<sc_vector_subcore>, window_params = [{transform_indices = #map}, {transform_indices = #map1}, {transform_indices = #map1}]} {
    %mul3A = arith.constant 2 : i32
    %mul3A_0 = arith.muli %arg1, %mul3A : i32
    %add3A = arith.addi %mul3A_0, %arg0 : i32
    %mul3A_1 = arith.constant 512 : i32
    %mul3A_2 = arith.muli %add3A, %mul3A_1 : i32
    "tpu.region"() ({
      %run_scoped3A = tpu.sem_alloc : memref<!tpu.dma_semaphore, #tpu.memory_space<semaphore_mem>>
      %dma_start3A_321 = tpu.memref_slice %arg2[%mul3A_2] : memref<16384xi32, #tpu.memory_space<hbm>> -> memref<512xi32, #tpu.memory_space<hbm>>
      %dma_start3A_322 = tpu.memref_slice %arg2[%mul3A_2] : memref<16384xi32, #tpu.memory_space<hbm>> -> memref<512xi32, #tpu.memory_space<hbm>>
      tpu.enqueue_dma source(%dma_start3A_322 : memref<512xi32, #tpu.memory_space<hbm>>) target(%arg5 : memref<512xi32, #tpu.memory_space<vmem>>) target_semaphore(%run_scoped3A : memref<!tpu.dma_semaphore, #tpu.memory_space<semaphore_mem>>)
      %dma_wait3A_323 = tpu.memref_slice %arg2[%mul3A_2] : memref<16384xi32, #tpu.memory_space<hbm>> -> memref<512xi32, #tpu.memory_space<hbm>>
      %dma_wait3A_324 = tpu.memref_slice %arg2[%mul3A_2] : memref<16384xi32, #tpu.memory_space<hbm>> -> memref<512xi32, #tpu.memory_space<hbm>>
      tpu.wait_dma2 semaphore(%run_scoped3A : memref<!tpu.dma_semaphore, #tpu.memory_space<semaphore_mem>>) src(%dma_wait3A_324 : memref<512xi32, #tpu.memory_space<hbm>>) dst(%arg5 : memref<512xi32, #tpu.memory_space<vmem>>)
      tpu.yield
    }) : () -> ()
    %dma_start3A = arith.constant 0 : i32
    %dma_start3A_3 = tpu.memref_slice %arg5[%dma_start3A] : memref<512xi32, #tpu.memory_space<vmem>> -> memref<32xi32, #tpu.memory_space<vmem>>
    %dma_start3A_4 = arith.constant 0 : i32
    %dma_start3A_5 = arith.constant 0 : i32
    %dma_start3A_6 = tpu.memref_slice %arg3[%dma_start3A_4, %dma_start3A_5] : memref<8192x1024xf32, #tpu.memory_space<hbm>> -> memref<8192x1024xf32, #tpu.memory_space<hbm>>
    tpu.enqueue_indirect_dma source(%dma_start3A_6 : memref<8192x1024xf32, #tpu.memory_space<hbm>>) target(%arg6 : memref<32x1024xf32, #tpu.memory_space<vmem>>) offsets(%dma_start3A_3 : memref<32xi32, #tpu.memory_space<vmem>>) semaphore(%arg9 : memref<!tpu.dma_semaphore, #tpu.memory_space<semaphore_mem>>)
    %dma_start3A_7 = arith.constant 32 : i32
    %dma_start3A_8 = tpu.memref_slice %arg5[%dma_start3A_7] : memref<512xi32, #tpu.memory_space<vmem>> -> memref<32xi32, #tpu.memory_space<vmem>>
    %dma_start3A_9 = arith.constant 0 : i32
    %dma_start3A_10 = arith.constant 0 : i32
    %dma_start3A_11 = tpu.memref_slice %arg3[%dma_start3A_9, %dma_start3A_10] : memref<8192x1024xf32, #tpu.memory_space<hbm>> -> memref<8192x1024xf32, #tpu.memory_space<hbm>>
    tpu.enqueue_indirect_dma source(%dma_start3A_11 : memref<8192x1024xf32, #tpu.memory_space<hbm>>) target(%arg7 : memref<32x1024xf32, #tpu.memory_space<vmem>>) offsets(%dma_start3A_8 : memref<32xi32, #tpu.memory_space<vmem>>) semaphore(%arg10 : memref<!tpu.dma_semaphore, #tpu.memory_space<semaphore_mem>>)
    %dma_start3A_12 = arith.constant 64 : i32
    %dma_start3A_13 = tpu.memref_slice %arg5[%dma_start3A_12] : memref<512xi32, #tpu.memory_space<vmem>> -> memref<32xi32, #tpu.memory_space<vmem>>
    %dma_start3A_14 = arith.constant 0 : i32
    %dma_start3A_15 = arith.constant 0 : i32
    %dma_start3A_16 = tpu.memref_slice %arg3[%dma_start3A_14, %dma_start3A_15] : memref<8192x1024xf32, #tpu.memory_space<hbm>> -> memref<8192x1024xf32, #tpu.memory_space<hbm>>
    tpu.enqueue_indirect_dma source(%dma_start3A_16 : memref<8192x1024xf32, #tpu.memory_space<hbm>>) target(%arg8 : memref<32x1024xf32, #tpu.memory_space<vmem>>) offsets(%dma_start3A_13 : memref<32xi32, #tpu.memory_space<vmem>>) semaphore(%arg11 : memref<!tpu.dma_semaphore, #tpu.memory_space<semaphore_mem>>)
    %dma_wait3A = arith.constant 0 : i32
    %dma_wait3A_17 = tpu.memref_slice %arg5[%dma_wait3A] : memref<512xi32, #tpu.memory_space<vmem>> -> memref<32xi32, #tpu.memory_space<vmem>>
    %dma_wait3A_18 = arith.constant 0 : i32
    %dma_wait3A_19 = arith.constant 0 : i32
    %dma_wait3A_20 = tpu.memref_slice %arg3[%dma_wait3A_18, %dma_wait3A_19] : memref<8192x1024xf32, #tpu.memory_space<hbm>> -> memref<8192x1024xf32, #tpu.memory_space<hbm>>
    tpu.wait_indirect_dma semaphore(%arg9 : memref<!tpu.dma_semaphore, #tpu.memory_space<semaphore_mem>>) src(%dma_wait3A_20 : memref<8192x1024xf32, #tpu.memory_space<hbm>>) dst(%arg6 : memref<32x1024xf32, #tpu.memory_space<vmem>>)
    %add3A_21 = arith.constant 0 : i32
    %add3A_22 = arith.addi %mul3A_2, %add3A_21 : i32
    %dma_start3A_23 = arith.constant 0 : i32
    %dma_start3A_24 = tpu.memref_slice %arg4[%add3A_22, %dma_start3A_23] : memref<16384x1024xf32, #tpu.memory_space<hbm>> -> memref<32x1024xf32, #tpu.memory_space<hbm>>
    %dma_start3A_25 = arith.constant 0 : i32
    %dma_start3A_26 = tpu.memref_slice %arg4[%add3A_22, %dma_start3A_25] : memref<16384x1024xf32, #tpu.memory_space<hbm>> -> memref<32x1024xf32, #tpu.memory_space<hbm>>
    tpu.enqueue_dma source(%arg6 : memref<32x1024xf32, #tpu.memory_space<vmem>>) target(%dma_start3A_26 : memref<32x1024xf32, #tpu.memory_space<hbm>>) target_semaphore(%arg12 : memref<!tpu.dma_semaphore, #tpu.memory_space<semaphore_mem>>)
    %dma_wait3A_27 = arith.constant 0 : i32
    %dma_wait3A_28 = tpu.memref_slice %arg4[%add3A_22, %dma_wait3A_27] : memref<16384x1024xf32, #tpu.memory_space<hbm>> -> memref<32x1024xf32, #tpu.memory_space<hbm>>
    %dma_wait3A_29 = arith.constant 0 : i32
    %dma_wait3A_30 = tpu.memref_slice %arg4[%add3A_22, %dma_wait3A_29] : memref<16384x1024xf32, #tpu.memory_space<hbm>> -> memref<32x1024xf32, #tpu.memory_space<hbm>>
    tpu.wait_dma2 semaphore(%arg12 : memref<!tpu.dma_semaphore, #tpu.memory_space<semaphore_mem>>) src(%arg6 : memref<32x1024xf32, #tpu.memory_space<vmem>>) dst(%dma_wait3A_30 : memref<32x1024xf32, #tpu.memory_space<hbm>>)
    %dma_start3A_31 = arith.constant 96 : i32
    %dma_start3A_32 = tpu.memref_slice %arg5[%dma_start3A_31] : memref<512xi32, #tpu.memory_space<vmem>> -> memref<32xi32, #tpu.memory_space<vmem>>
    %dma_start3A_33 = arith.constant 0 : i32
    %dma_start3A_34 = arith.constant 0 : i32
    %dma_start3A_35 = tpu.memref_slice %arg3[%dma_start3A_33, %dma_start3A_34] : memref<8192x1024xf32, #tpu.memory_space<hbm>> -> memref<8192x1024xf32, #tpu.memory_space<hbm>>
    tpu.enqueue_indirect_dma source(%dma_start3A_35 : memref<8192x1024xf32, #tpu.memory_space<hbm>>) target(%arg6 : memref<32x1024xf32, #tpu.memory_space<vmem>>) offsets(%dma_start3A_32 : memref<32xi32, #tpu.memory_space<vmem>>) semaphore(%arg9 : memref<!tpu.dma_semaphore, #tpu.memory_space<semaphore_mem>>)
    %dma_wait3A_36 = arith.constant 32 : i32
    %dma_wait3A_37 = tpu.memref_slice %arg5[%dma_wait3A_36] : memref<512xi32, #tpu.memory_space<vmem>> -> memref<32xi32, #tpu.memory_space<vmem>>
    %dma_wait3A_38 = arith.constant 0 : i32
    %dma_wait3A_39 = arith.constant 0 : i32
    %dma_wait3A_40 = tpu.memref_slice %arg3[%dma_wait3A_38, %dma_wait3A_39] : memref<8192x1024xf32, #tpu.memory_space<hbm>> -> memref<8192x1024xf32, #tpu.memory_space<hbm>>
    tpu.wait_indirect_dma semaphore(%arg10 : memref<!tpu.dma_semaphore, #tpu.memory_space<semaphore_mem>>) src(%dma_wait3A_40 : memref<8192x1024xf32, #tpu.memory_space<hbm>>) dst(%arg7 : memref<32x1024xf32, #tpu.memory_space<vmem>>)
    %add3A_41 = arith.constant 32 : i32
    %add3A_42 = arith.addi %mul3A_2, %add3A_41 : i32
    %dma_start3A_43 = arith.constant 0 : i32
    %dma_start3A_44 = tpu.memref_slice %arg4[%add3A_42, %dma_start3A_43] : memref<16384x1024xf32, #tpu.memory_space<hbm>> -> memref<32x1024xf32, #tpu.memory_space<hbm>>
    %dma_start3A_45 = arith.constant 0 : i32
    %dma_start3A_46 = tpu.memref_slice %arg4[%add3A_42, %dma_start3A_45] : memref<16384x1024xf32, #tpu.memory_space<hbm>> -> memref<32x1024xf32, #tpu.memory_space<hbm>>
    tpu.enqueue_dma source(%arg7 : memref<32x1024xf32, #tpu.memory_space<vmem>>) target(%dma_start3A_46 : memref<32x1024xf32, #tpu.memory_space<hbm>>) target_semaphore(%arg13 : memref<!tpu.dma_semaphore, #tpu.memory_space<semaphore_mem>>)
    %dma_wait3A_47 = arith.constant 0 : i32
    %dma_wait3A_48 = tpu.memref_slice %arg4[%add3A_42, %dma_wait3A_47] : memref<16384x1024xf32, #tpu.memory_space<hbm>> -> memref<32x1024xf32, #tpu.memory_space<hbm>>
    %dma_wait3A_49 = arith.constant 0 : i32
    %dma_wait3A_50 = tpu.memref_slice %arg4[%add3A_42, %dma_wait3A_49] : memref<16384x1024xf32, #tpu.memory_space<hbm>> -> memref<32x1024xf32, #tpu.memory_space<hbm>>
    tpu.wait_dma2 semaphore(%arg13 : memref<!tpu.dma_semaphore, #tpu.memory_space<semaphore_mem>>) src(%arg7 : memref<32x1024xf32, #tpu.memory_space<vmem>>) dst(%dma_wait3A_50 : memref<32x1024xf32, #tpu.memory_space<hbm>>)
    %dma_start3A_51 = arith.constant 128 : i32
    %dma_start3A_52 = tpu.memref_slice %arg5[%dma_start3A_51] : memref<512xi32, #tpu.memory_space<vmem>> -> memref<32xi32, #tpu.memory_space<vmem>>
    %dma_start3A_53 = arith.constant 0 : i32
    %dma_start3A_54 = arith.constant 0 : i32
    %dma_start3A_55 = tpu.memref_slice %arg3[%dma_start3A_53, %dma_start3A_54] : memref<8192x1024xf32, #tpu.memory_space<hbm>> -> memref<8192x1024xf32, #tpu.memory_space<hbm>>
    tpu.enqueue_indirect_dma source(%dma_start3A_55 : memref<8192x1024xf32, #tpu.memory_space<hbm>>) target(%arg7 : memref<32x1024xf32, #tpu.memory_space<vmem>>) offsets(%dma_start3A_52 : memref<32xi32, #tpu.memory_space<vmem>>) semaphore(%arg10 : memref<!tpu.dma_semaphore, #tpu.memory_space<semaphore_mem>>)
    %dma_wait3A_56 = arith.constant 64 : i32
    %dma_wait3A_57 = tpu.memref_slice %arg5[%dma_wait3A_56] : memref<512xi32, #tpu.memory_space<vmem>> -> memref<32xi32, #tpu.memory_space<vmem>>
    %dma_wait3A_58 = arith.constant 0 : i32
    %dma_wait3A_59 = arith.constant 0 : i32
    %dma_wait3A_60 = tpu.memref_slice %arg3[%dma_wait3A_58, %dma_wait3A_59] : memref<8192x1024xf32, #tpu.memory_space<hbm>> -> memref<8192x1024xf32, #tpu.memory_space<hbm>>
    tpu.wait_indirect_dma semaphore(%arg11 : memref<!tpu.dma_semaphore, #tpu.memory_space<semaphore_mem>>) src(%dma_wait3A_60 : memref<8192x1024xf32, #tpu.memory_space<hbm>>) dst(%arg8 : memref<32x1024xf32, #tpu.memory_space<vmem>>)
    %add3A_61 = arith.constant 64 : i32
    %add3A_62 = arith.addi %mul3A_2, %add3A_61 : i32
    %dma_start3A_63 = arith.constant 0 : i32
    %dma_start3A_64 = tpu.memref_slice %arg4[%add3A_62, %dma_start3A_63] : memref<16384x1024xf32, #tpu.memory_space<hbm>> -> memref<32x1024xf32, #tpu.memory_space<hbm>>
    %dma_start3A_65 = arith.constant 0 : i32
    %dma_start3A_66 = tpu.memref_slice %arg4[%add3A_62, %dma_start3A_65] : memref<16384x1024xf32, #tpu.memory_space<hbm>> -> memref<32x1024xf32, #tpu.memory_space<hbm>>
    tpu.enqueue_dma source(%arg8 : memref<32x1024xf32, #tpu.memory_space<vmem>>) target(%dma_start3A_66 : memref<32x1024xf32, #tpu.memory_space<hbm>>) target_semaphore(%arg14 : memref<!tpu.dma_semaphore, #tpu.memory_space<semaphore_mem>>)
    %dma_wait3A_67 = arith.constant 0 : i32
    %dma_wait3A_68 = tpu.memref_slice %arg4[%add3A_62, %dma_wait3A_67] : memref<16384x1024xf32, #tpu.memory_space<hbm>> -> memref<32x1024xf32, #tpu.memory_space<hbm>>
    %dma_wait3A_69 = arith.constant 0 : i32
    %dma_wait3A_70 = tpu.memref_slice %arg4[%add3A_62, %dma_wait3A_69] : memref<16384x1024xf32, #tpu.memory_space<hbm>> -> memref<32x1024xf32, #tpu.memory_space<hbm>>
    tpu.wait_dma2 semaphore(%arg14 : memref<!tpu.dma_semaphore, #tpu.memory_space<semaphore_mem>>) src(%arg8 : memref<32x1024xf32, #tpu.memory_space<vmem>>) dst(%dma_wait3A_70 : memref<32x1024xf32, #tpu.memory_space<hbm>>)
    %dma_start3A_71 = arith.constant 160 : i32
    %dma_start3A_72 = tpu.memref_slice %arg5[%dma_start3A_71] : memref<512xi32, #tpu.memory_space<vmem>> -> memref<32xi32, #tpu.memory_space<vmem>>
    %dma_start3A_73 = arith.constant 0 : i32
    %dma_start3A_74 = arith.constant 0 : i32
    %dma_start3A_75 = tpu.memref_slice %arg3[%dma_start3A_73, %dma_start3A_74] : memref<8192x1024xf32, #tpu.memory_space<hbm>> -> memref<8192x1024xf32, #tpu.memory_space<hbm>>
    tpu.enqueue_indirect_dma source(%dma_start3A_75 : memref<8192x1024xf32, #tpu.memory_space<hbm>>) target(%arg8 : memref<32x1024xf32, #tpu.memory_space<vmem>>) offsets(%dma_start3A_72 : memref<32xi32, #tpu.memory_space<vmem>>) semaphore(%arg11 : memref<!tpu.dma_semaphore, #tpu.memory_space<semaphore_mem>>)
    %dma_wait3A_76 = arith.constant 96 : i32
    %dma_wait3A_77 = tpu.memref_slice %arg5[%dma_wait3A_76] : memref<512xi32, #tpu.memory_space<vmem>> -> memref<32xi32, #tpu.memory_space<vmem>>
    %dma_wait3A_78 = arith.constant 0 : i32
    %dma_wait3A_79 = arith.constant 0 : i32
    %dma_wait3A_80 = tpu.memref_slice %arg3[%dma_wait3A_78, %dma_wait3A_79] : memref<8192x1024xf32, #tpu.memory_space<hbm>> -> memref<8192x1024xf32, #tpu.memory_space<hbm>>
    tpu.wait_indirect_dma semaphore(%arg9 : memref<!tpu.dma_semaphore, #tpu.memory_space<semaphore_mem>>) src(%dma_wait3A_80 : memref<8192x1024xf32, #tpu.memory_space<hbm>>) dst(%arg6 : memref<32x1024xf32, #tpu.memory_space<vmem>>)
    %add3A_81 = arith.constant 96 : i32
    %add3A_82 = arith.addi %mul3A_2, %add3A_81 : i32
    %dma_start3A_83 = arith.constant 0 : i32
    %dma_start3A_84 = tpu.memref_slice %arg4[%add3A_82, %dma_start3A_83] : memref<16384x1024xf32, #tpu.memory_space<hbm>> -> memref<32x1024xf32, #tpu.memory_space<hbm>>
    %dma_start3A_85 = arith.constant 0 : i32
    %dma_start3A_86 = tpu.memref_slice %arg4[%add3A_82, %dma_start3A_85] : memref<16384x1024xf32, #tpu.memory_space<hbm>> -> memref<32x1024xf32, #tpu.memory_space<hbm>>
    tpu.enqueue_dma source(%arg6 : memref<32x1024xf32, #tpu.memory_space<vmem>>) target(%dma_start3A_86 : memref<32x1024xf32, #tpu.memory_space<hbm>>) target_semaphore(%arg12 : memref<!tpu.dma_semaphore, #tpu.memory_space<semaphore_mem>>)
    %dma_wait3A_87 = arith.constant 0 : i32
    %dma_wait3A_88 = tpu.memref_slice %arg4[%add3A_82, %dma_wait3A_87] : memref<16384x1024xf32, #tpu.memory_space<hbm>> -> memref<32x1024xf32, #tpu.memory_space<hbm>>
    %dma_wait3A_89 = arith.constant 0 : i32
    %dma_wait3A_90 = tpu.memref_slice %arg4[%add3A_82, %dma_wait3A_89] : memref<16384x1024xf32, #tpu.memory_space<hbm>> -> memref<32x1024xf32, #tpu.memory_space<hbm>>
    tpu.wait_dma2 semaphore(%arg12 : memref<!tpu.dma_semaphore, #tpu.memory_space<semaphore_mem>>) src(%arg6 : memref<32x1024xf32, #tpu.memory_space<vmem>>) dst(%dma_wait3A_90 : memref<32x1024xf32, #tpu.memory_space<hbm>>)
    %dma_start3A_91 = arith.constant 192 : i32
    %dma_start3A_92 = tpu.memref_slice %arg5[%dma_start3A_91] : memref<512xi32, #tpu.memory_space<vmem>> -> memref<32xi32, #tpu.memory_space<vmem>>
    %dma_start3A_93 = arith.constant 0 : i32
    %dma_start3A_94 = arith.constant 0 : i32
    %dma_start3A_95 = tpu.memref_slice %arg3[%dma_start3A_93, %dma_start3A_94] : memref<8192x1024xf32, #tpu.memory_space<hbm>> -> memref<8192x1024xf32, #tpu.memory_space<hbm>>
    tpu.enqueue_indirect_dma source(%dma_start3A_95 : memref<8192x1024xf32, #tpu.memory_space<hbm>>) target(%arg6 : memref<32x1024xf32, #tpu.memory_space<vmem>>) offsets(%dma_start3A_92 : memref<32xi32, #tpu.memory_space<vmem>>) semaphore(%arg9 : memref<!tpu.dma_semaphore, #tpu.memory_space<semaphore_mem>>)
    %dma_wait3A_96 = arith.constant 128 : i32
    %dma_wait3A_97 = tpu.memref_slice %arg5[%dma_wait3A_96] : memref<512xi32, #tpu.memory_space<vmem>> -> memref<32xi32, #tpu.memory_space<vmem>>
    %dma_wait3A_98 = arith.constant 0 : i32
    %dma_wait3A_99 = arith.constant 0 : i32
    %dma_wait3A_100 = tpu.memref_slice %arg3[%dma_wait3A_98, %dma_wait3A_99] : memref<8192x1024xf32, #tpu.memory_space<hbm>> -> memref<8192x1024xf32, #tpu.memory_space<hbm>>
    tpu.wait_indirect_dma semaphore(%arg10 : memref<!tpu.dma_semaphore, #tpu.memory_space<semaphore_mem>>) src(%dma_wait3A_100 : memref<8192x1024xf32, #tpu.memory_space<hbm>>) dst(%arg7 : memref<32x1024xf32, #tpu.memory_space<vmem>>)
    %add3A_101 = arith.constant 128 : i32
    %add3A_102 = arith.addi %mul3A_2, %add3A_101 : i32
    %dma_start3A_103 = arith.constant 0 : i32
    %dma_start3A_104 = tpu.memref_slice %arg4[%add3A_102, %dma_start3A_103] : memref<16384x1024xf32, #tpu.memory_space<hbm>> -> memref<32x1024xf32, #tpu.memory_space<hbm>>
    %dma_start3A_105 = arith.constant 0 : i32
    %dma_start3A_106 = tpu.memref_slice %arg4[%add3A_102, %dma_start3A_105] : memref<16384x1024xf32, #tpu.memory_space<hbm>> -> memref<32x1024xf32, #tpu.memory_space<hbm>>
    tpu.enqueue_dma source(%arg7 : memref<32x1024xf32, #tpu.memory_space<vmem>>) target(%dma_start3A_106 : memref<32x1024xf32, #tpu.memory_space<hbm>>) target_semaphore(%arg13 : memref<!tpu.dma_semaphore, #tpu.memory_space<semaphore_mem>>)
    %dma_wait3A_107 = arith.constant 0 : i32
    %dma_wait3A_108 = tpu.memref_slice %arg4[%add3A_102, %dma_wait3A_107] : memref<16384x1024xf32, #tpu.memory_space<hbm>> -> memref<32x1024xf32, #tpu.memory_space<hbm>>
    %dma_wait3A_109 = arith.constant 0 : i32
    %dma_wait3A_110 = tpu.memref_slice %arg4[%add3A_102, %dma_wait3A_109] : memref<16384x1024xf32, #tpu.memory_space<hbm>> -> memref<32x1024xf32, #tpu.memory_space<hbm>>
    tpu.wait_dma2 semaphore(%arg13 : memref<!tpu.dma_semaphore, #tpu.memory_space<semaphore_mem>>) src(%arg7 : memref<32x1024xf32, #tpu.memory_space<vmem>>) dst(%dma_wait3A_110 : memref<32x1024xf32, #tpu.memory_space<hbm>>)
    %dma_start3A_111 = arith.constant 224 : i32
    %dma_start3A_112 = tpu.memref_slice %arg5[%dma_start3A_111] : memref<512xi32, #tpu.memory_space<vmem>> -> memref<32xi32, #tpu.memory_space<vmem>>
    %dma_start3A_113 = arith.constant 0 : i32
    %dma_start3A_114 = arith.constant 0 : i32
    %dma_start3A_115 = tpu.memref_slice %arg3[%dma_start3A_113, %dma_start3A_114] : memref<8192x1024xf32, #tpu.memory_space<hbm>> -> memref<8192x1024xf32, #tpu.memory_space<hbm>>
    tpu.enqueue_indirect_dma source(%dma_start3A_115 : memref<8192x1024xf32, #tpu.memory_space<hbm>>) target(%arg7 : memref<32x1024xf32, #tpu.memory_space<vmem>>) offsets(%dma_start3A_112 : memref<32xi32, #tpu.memory_space<vmem>>) semaphore(%arg10 : memref<!tpu.dma_semaphore, #tpu.memory_space<semaphore_mem>>)
    %dma_wait3A_116 = arith.constant 160 : i32
    %dma_wait3A_117 = tpu.memref_slice %arg5[%dma_wait3A_116] : memref<512xi32, #tpu.memory_space<vmem>> -> memref<32xi32, #tpu.memory_space<vmem>>
    %dma_wait3A_118 = arith.constant 0 : i32
    %dma_wait3A_119 = arith.constant 0 : i32
    %dma_wait3A_120 = tpu.memref_slice %arg3[%dma_wait3A_118, %dma_wait3A_119] : memref<8192x1024xf32, #tpu.memory_space<hbm>> -> memref<8192x1024xf32, #tpu.memory_space<hbm>>
    tpu.wait_indirect_dma semaphore(%arg11 : memref<!tpu.dma_semaphore, #tpu.memory_space<semaphore_mem>>) src(%dma_wait3A_120 : memref<8192x1024xf32, #tpu.memory_space<hbm>>) dst(%arg8 : memref<32x1024xf32, #tpu.memory_space<vmem>>)
    %add3A_121 = arith.constant 160 : i32
    %add3A_122 = arith.addi %mul3A_2, %add3A_121 : i32
    %dma_start3A_123 = arith.constant 0 : i32
    %dma_start3A_124 = tpu.memref_slice %arg4[%add3A_122, %dma_start3A_123] : memref<16384x1024xf32, #tpu.memory_space<hbm>> -> memref<32x1024xf32, #tpu.memory_space<hbm>>
    %dma_start3A_125 = arith.constant 0 : i32
    %dma_start3A_126 = tpu.memref_slice %arg4[%add3A_122, %dma_start3A_125] : memref<16384x1024xf32, #tpu.memory_space<hbm>> -> memref<32x1024xf32, #tpu.memory_space<hbm>>
    tpu.enqueue_dma source(%arg8 : memref<32x1024xf32, #tpu.memory_space<vmem>>) target(%dma_start3A_126 : memref<32x1024xf32, #tpu.memory_space<hbm>>) target_semaphore(%arg14 : memref<!tpu.dma_semaphore, #tpu.memory_space<semaphore_mem>>)
    %dma_wait3A_127 = arith.constant 0 : i32
    %dma_wait3A_128 = tpu.memref_slice %arg4[%add3A_122, %dma_wait3A_127] : memref<16384x1024xf32, #tpu.memory_space<hbm>> -> memref<32x1024xf32, #tpu.memory_space<hbm>>
    %dma_wait3A_129 = arith.constant 0 : i32
    %dma_wait3A_130 = tpu.memref_slice %arg4[%add3A_122, %dma_wait3A_129] : memref<16384x1024xf32, #tpu.memory_space<hbm>> -> memref<32x1024xf32, #tpu.memory_space<hbm>>
    tpu.wait_dma2 semaphore(%arg14 : memref<!tpu.dma_semaphore, #tpu.memory_space<semaphore_mem>>) src(%arg8 : memref<32x1024xf32, #tpu.memory_space<vmem>>) dst(%dma_wait3A_130 : memref<32x1024xf32, #tpu.memory_space<hbm>>)
    %dma_start3A_131 = arith.constant 256 : i32
    %dma_start3A_132 = tpu.memref_slice %arg5[%dma_start3A_131] : memref<512xi32, #tpu.memory_space<vmem>> -> memref<32xi32, #tpu.memory_space<vmem>>
    %dma_start3A_133 = arith.constant 0 : i32
    %dma_start3A_134 = arith.constant 0 : i32
    %dma_start3A_135 = tpu.memref_slice %arg3[%dma_start3A_133, %dma_start3A_134] : memref<8192x1024xf32, #tpu.memory_space<hbm>> -> memref<8192x1024xf32, #tpu.memory_space<hbm>>
    tpu.enqueue_indirect_dma source(%dma_start3A_135 : memref<8192x1024xf32, #tpu.memory_space<hbm>>) target(%arg8 : memref<32x1024xf32, #tpu.memory_space<vmem>>) offsets(%dma_start3A_132 : memref<32xi32, #tpu.memory_space<vmem>>) semaphore(%arg11 : memref<!tpu.dma_semaphore, #tpu.memory_space<semaphore_mem>>)
    %dma_wait3A_136 = arith.constant 192 : i32
    %dma_wait3A_137 = tpu.memref_slice %arg5[%dma_wait3A_136] : memref<512xi32, #tpu.memory_space<vmem>> -> memref<32xi32, #tpu.memory_space<vmem>>
    %dma_wait3A_138 = arith.constant 0 : i32
    %dma_wait3A_139 = arith.constant 0 : i32
    %dma_wait3A_140 = tpu.memref_slice %arg3[%dma_wait3A_138, %dma_wait3A_139] : memref<8192x1024xf32, #tpu.memory_space<hbm>> -> memref<8192x1024xf32, #tpu.memory_space<hbm>>
    tpu.wait_indirect_dma semaphore(%arg9 : memref<!tpu.dma_semaphore, #tpu.memory_space<semaphore_mem>>) src(%dma_wait3A_140 : memref<8192x1024xf32, #tpu.memory_space<hbm>>) dst(%arg6 : memref<32x1024xf32, #tpu.memory_space<vmem>>)
    %add3A_141 = arith.constant 192 : i32
    %add3A_142 = arith.addi %mul3A_2, %add3A_141 : i32
    %dma_start3A_143 = arith.constant 0 : i32
    %dma_start3A_144 = tpu.memref_slice %arg4[%add3A_142, %dma_start3A_143] : memref<16384x1024xf32, #tpu.memory_space<hbm>> -> memref<32x1024xf32, #tpu.memory_space<hbm>>
    %dma_start3A_145 = arith.constant 0 : i32
    %dma_start3A_146 = tpu.memref_slice %arg4[%add3A_142, %dma_start3A_145] : memref<16384x1024xf32, #tpu.memory_space<hbm>> -> memref<32x1024xf32, #tpu.memory_space<hbm>>
    tpu.enqueue_dma source(%arg6 : memref<32x1024xf32, #tpu.memory_space<vmem>>) target(%dma_start3A_146 : memref<32x1024xf32, #tpu.memory_space<hbm>>) target_semaphore(%arg12 : memref<!tpu.dma_semaphore, #tpu.memory_space<semaphore_mem>>)
    %dma_wait3A_147 = arith.constant 0 : i32
    %dma_wait3A_148 = tpu.memref_slice %arg4[%add3A_142, %dma_wait3A_147] : memref<16384x1024xf32, #tpu.memory_space<hbm>> -> memref<32x1024xf32, #tpu.memory_space<hbm>>
    %dma_wait3A_149 = arith.constant 0 : i32
    %dma_wait3A_150 = tpu.memref_slice %arg4[%add3A_142, %dma_wait3A_149] : memref<16384x1024xf32, #tpu.memory_space<hbm>> -> memref<32x1024xf32, #tpu.memory_space<hbm>>
    tpu.wait_dma2 semaphore(%arg12 : memref<!tpu.dma_semaphore, #tpu.memory_space<semaphore_mem>>) src(%arg6 : memref<32x1024xf32, #tpu.memory_space<vmem>>) dst(%dma_wait3A_150 : memref<32x1024xf32, #tpu.memory_space<hbm>>)
    %dma_start3A_151 = arith.constant 288 : i32
    %dma_start3A_152 = tpu.memref_slice %arg5[%dma_start3A_151] : memref<512xi32, #tpu.memory_space<vmem>> -> memref<32xi32, #tpu.memory_space<vmem>>
    %dma_start3A_153 = arith.constant 0 : i32
    %dma_start3A_154 = arith.constant 0 : i32
    %dma_start3A_155 = tpu.memref_slice %arg3[%dma_start3A_153, %dma_start3A_154] : memref<8192x1024xf32, #tpu.memory_space<hbm>> -> memref<8192x1024xf32, #tpu.memory_space<hbm>>
    tpu.enqueue_indirect_dma source(%dma_start3A_155 : memref<8192x1024xf32, #tpu.memory_space<hbm>>) target(%arg6 : memref<32x1024xf32, #tpu.memory_space<vmem>>) offsets(%dma_start3A_152 : memref<32xi32, #tpu.memory_space<vmem>>) semaphore(%arg9 : memref<!tpu.dma_semaphore, #tpu.memory_space<semaphore_mem>>)
    %dma_wait3A_156 = arith.constant 224 : i32
    %dma_wait3A_157 = tpu.memref_slice %arg5[%dma_wait3A_156] : memref<512xi32, #tpu.memory_space<vmem>> -> memref<32xi32, #tpu.memory_space<vmem>>
    %dma_wait3A_158 = arith.constant 0 : i32
    %dma_wait3A_159 = arith.constant 0 : i32
    %dma_wait3A_160 = tpu.memref_slice %arg3[%dma_wait3A_158, %dma_wait3A_159] : memref<8192x1024xf32, #tpu.memory_space<hbm>> -> memref<8192x1024xf32, #tpu.memory_space<hbm>>
    tpu.wait_indirect_dma semaphore(%arg10 : memref<!tpu.dma_semaphore, #tpu.memory_space<semaphore_mem>>) src(%dma_wait3A_160 : memref<8192x1024xf32, #tpu.memory_space<hbm>>) dst(%arg7 : memref<32x1024xf32, #tpu.memory_space<vmem>>)
    %add3A_161 = arith.constant 224 : i32
    %add3A_162 = arith.addi %mul3A_2, %add3A_161 : i32
    %dma_start3A_163 = arith.constant 0 : i32
    %dma_start3A_164 = tpu.memref_slice %arg4[%add3A_162, %dma_start3A_163] : memref<16384x1024xf32, #tpu.memory_space<hbm>> -> memref<32x1024xf32, #tpu.memory_space<hbm>>
    %dma_start3A_165 = arith.constant 0 : i32
    %dma_start3A_166 = tpu.memref_slice %arg4[%add3A_162, %dma_start3A_165] : memref<16384x1024xf32, #tpu.memory_space<hbm>> -> memref<32x1024xf32, #tpu.memory_space<hbm>>
    tpu.enqueue_dma source(%arg7 : memref<32x1024xf32, #tpu.memory_space<vmem>>) target(%dma_start3A_166 : memref<32x1024xf32, #tpu.memory_space<hbm>>) target_semaphore(%arg13 : memref<!tpu.dma_semaphore, #tpu.memory_space<semaphore_mem>>)
    %dma_wait3A_167 = arith.constant 0 : i32
    %dma_wait3A_168 = tpu.memref_slice %arg4[%add3A_162, %dma_wait3A_167] : memref<16384x1024xf32, #tpu.memory_space<hbm>> -> memref<32x1024xf32, #tpu.memory_space<hbm>>
    %dma_wait3A_169 = arith.constant 0 : i32
    %dma_wait3A_170 = tpu.memref_slice %arg4[%add3A_162, %dma_wait3A_169] : memref<16384x1024xf32, #tpu.memory_space<hbm>> -> memref<32x1024xf32, #tpu.memory_space<hbm>>
    tpu.wait_dma2 semaphore(%arg13 : memref<!tpu.dma_semaphore, #tpu.memory_space<semaphore_mem>>) src(%arg7 : memref<32x1024xf32, #tpu.memory_space<vmem>>) dst(%dma_wait3A_170 : memref<32x1024xf32, #tpu.memory_space<hbm>>)
    %dma_start3A_171 = arith.constant 320 : i32
    %dma_start3A_172 = tpu.memref_slice %arg5[%dma_start3A_171] : memref<512xi32, #tpu.memory_space<vmem>> -> memref<32xi32, #tpu.memory_space<vmem>>
    %dma_start3A_173 = arith.constant 0 : i32
    %dma_start3A_174 = arith.constant 0 : i32
    %dma_start3A_175 = tpu.memref_slice %arg3[%dma_start3A_173, %dma_start3A_174] : memref<8192x1024xf32, #tpu.memory_space<hbm>> -> memref<8192x1024xf32, #tpu.memory_space<hbm>>
    tpu.enqueue_indirect_dma source(%dma_start3A_175 : memref<8192x1024xf32, #tpu.memory_space<hbm>>) target(%arg7 : memref<32x1024xf32, #tpu.memory_space<vmem>>) offsets(%dma_start3A_172 : memref<32xi32, #tpu.memory_space<vmem>>) semaphore(%arg10 : memref<!tpu.dma_semaphore, #tpu.memory_space<semaphore_mem>>)
    %dma_wait3A_176 = arith.constant 256 : i32
    %dma_wait3A_177 = tpu.memref_slice %arg5[%dma_wait3A_176] : memref<512xi32, #tpu.memory_space<vmem>> -> memref<32xi32, #tpu.memory_space<vmem>>
    %dma_wait3A_178 = arith.constant 0 : i32
    %dma_wait3A_179 = arith.constant 0 : i32
    %dma_wait3A_180 = tpu.memref_slice %arg3[%dma_wait3A_178, %dma_wait3A_179] : memref<8192x1024xf32, #tpu.memory_space<hbm>> -> memref<8192x1024xf32, #tpu.memory_space<hbm>>
    tpu.wait_indirect_dma semaphore(%arg11 : memref<!tpu.dma_semaphore, #tpu.memory_space<semaphore_mem>>) src(%dma_wait3A_180 : memref<8192x1024xf32, #tpu.memory_space<hbm>>) dst(%arg8 : memref<32x1024xf32, #tpu.memory_space<vmem>>)
    %add3A_181 = arith.constant 256 : i32
    %add3A_182 = arith.addi %mul3A_2, %add3A_181 : i32
    %dma_start3A_183 = arith.constant 0 : i32
    %dma_start3A_184 = tpu.memref_slice %arg4[%add3A_182, %dma_start3A_183] : memref<16384x1024xf32, #tpu.memory_space<hbm>> -> memref<32x1024xf32, #tpu.memory_space<hbm>>
    %dma_start3A_185 = arith.constant 0 : i32
    %dma_start3A_186 = tpu.memref_slice %arg4[%add3A_182, %dma_start3A_185] : memref<16384x1024xf32, #tpu.memory_space<hbm>> -> memref<32x1024xf32, #tpu.memory_space<hbm>>
    tpu.enqueue_dma source(%arg8 : memref<32x1024xf32, #tpu.memory_space<vmem>>) target(%dma_start3A_186 : memref<32x1024xf32, #tpu.memory_space<hbm>>) target_semaphore(%arg14 : memref<!tpu.dma_semaphore, #tpu.memory_space<semaphore_mem>>)
    %dma_wait3A_187 = arith.constant 0 : i32
    %dma_wait3A_188 = tpu.memref_slice %arg4[%add3A_182, %dma_wait3A_187] : memref<16384x1024xf32, #tpu.memory_space<hbm>> -> memref<32x1024xf32, #tpu.memory_space<hbm>>
    %dma_wait3A_189 = arith.constant 0 : i32
    %dma_wait3A_190 = tpu.memref_slice %arg4[%add3A_182, %dma_wait3A_189] : memref<16384x1024xf32, #tpu.memory_space<hbm>> -> memref<32x1024xf32, #tpu.memory_space<hbm>>
    tpu.wait_dma2 semaphore(%arg14 : memref<!tpu.dma_semaphore, #tpu.memory_space<semaphore_mem>>) src(%arg8 : memref<32x1024xf32, #tpu.memory_space<vmem>>) dst(%dma_wait3A_190 : memref<32x1024xf32, #tpu.memory_space<hbm>>)
    %dma_start3A_191 = arith.constant 352 : i32
    %dma_start3A_192 = tpu.memref_slice %arg5[%dma_start3A_191] : memref<512xi32, #tpu.memory_space<vmem>> -> memref<32xi32, #tpu.memory_space<vmem>>
    %dma_start3A_193 = arith.constant 0 : i32
    %dma_start3A_194 = arith.constant 0 : i32
    %dma_start3A_195 = tpu.memref_slice %arg3[%dma_start3A_193, %dma_start3A_194] : memref<8192x1024xf32, #tpu.memory_space<hbm>> -> memref<8192x1024xf32, #tpu.memory_space<hbm>>
    tpu.enqueue_indirect_dma source(%dma_start3A_195 : memref<8192x1024xf32, #tpu.memory_space<hbm>>) target(%arg8 : memref<32x1024xf32, #tpu.memory_space<vmem>>) offsets(%dma_start3A_192 : memref<32xi32, #tpu.memory_space<vmem>>) semaphore(%arg11 : memref<!tpu.dma_semaphore, #tpu.memory_space<semaphore_mem>>)
    %dma_wait3A_196 = arith.constant 288 : i32
    %dma_wait3A_197 = tpu.memref_slice %arg5[%dma_wait3A_196] : memref<512xi32, #tpu.memory_space<vmem>> -> memref<32xi32, #tpu.memory_space<vmem>>
    %dma_wait3A_198 = arith.constant 0 : i32
    %dma_wait3A_199 = arith.constant 0 : i32
    %dma_wait3A_200 = tpu.memref_slice %arg3[%dma_wait3A_198, %dma_wait3A_199] : memref<8192x1024xf32, #tpu.memory_space<hbm>> -> memref<8192x1024xf32, #tpu.memory_space<hbm>>
    tpu.wait_indirect_dma semaphore(%arg9 : memref<!tpu.dma_semaphore, #tpu.memory_space<semaphore_mem>>) src(%dma_wait3A_200 : memref<8192x1024xf32, #tpu.memory_space<hbm>>) dst(%arg6 : memref<32x1024xf32, #tpu.memory_space<vmem>>)
    %add3A_201 = arith.constant 288 : i32
    %add3A_202 = arith.addi %mul3A_2, %add3A_201 : i32
    %dma_start3A_203 = arith.constant 0 : i32
    %dma_start3A_204 = tpu.memref_slice %arg4[%add3A_202, %dma_start3A_203] : memref<16384x1024xf32, #tpu.memory_space<hbm>> -> memref<32x1024xf32, #tpu.memory_space<hbm>>
    %dma_start3A_205 = arith.constant 0 : i32
    %dma_start3A_206 = tpu.memref_slice %arg4[%add3A_202, %dma_start3A_205] : memref<16384x1024xf32, #tpu.memory_space<hbm>> -> memref<32x1024xf32, #tpu.memory_space<hbm>>
    tpu.enqueue_dma source(%arg6 : memref<32x1024xf32, #tpu.memory_space<vmem>>) target(%dma_start3A_206 : memref<32x1024xf32, #tpu.memory_space<hbm>>) target_semaphore(%arg12 : memref<!tpu.dma_semaphore, #tpu.memory_space<semaphore_mem>>)
    %dma_wait3A_207 = arith.constant 0 : i32
    %dma_wait3A_208 = tpu.memref_slice %arg4[%add3A_202, %dma_wait3A_207] : memref<16384x1024xf32, #tpu.memory_space<hbm>> -> memref<32x1024xf32, #tpu.memory_space<hbm>>
    %dma_wait3A_209 = arith.constant 0 : i32
    %dma_wait3A_210 = tpu.memref_slice %arg4[%add3A_202, %dma_wait3A_209] : memref<16384x1024xf32, #tpu.memory_space<hbm>> -> memref<32x1024xf32, #tpu.memory_space<hbm>>
    tpu.wait_dma2 semaphore(%arg12 : memref<!tpu.dma_semaphore, #tpu.memory_space<semaphore_mem>>) src(%arg6 : memref<32x1024xf32, #tpu.memory_space<vmem>>) dst(%dma_wait3A_210 : memref<32x1024xf32, #tpu.memory_space<hbm>>)
    %dma_start3A_211 = arith.constant 384 : i32
    %dma_start3A_212 = tpu.memref_slice %arg5[%dma_start3A_211] : memref<512xi32, #tpu.memory_space<vmem>> -> memref<32xi32, #tpu.memory_space<vmem>>
    %dma_start3A_213 = arith.constant 0 : i32
    %dma_start3A_214 = arith.constant 0 : i32
    %dma_start3A_215 = tpu.memref_slice %arg3[%dma_start3A_213, %dma_start3A_214] : memref<8192x1024xf32, #tpu.memory_space<hbm>> -> memref<8192x1024xf32, #tpu.memory_space<hbm>>
    tpu.enqueue_indirect_dma source(%dma_start3A_215 : memref<8192x1024xf32, #tpu.memory_space<hbm>>) target(%arg6 : memref<32x1024xf32, #tpu.memory_space<vmem>>) offsets(%dma_start3A_212 : memref<32xi32, #tpu.memory_space<vmem>>) semaphore(%arg9 : memref<!tpu.dma_semaphore, #tpu.memory_space<semaphore_mem>>)
    %dma_wait3A_216 = arith.constant 320 : i32
    %dma_wait3A_217 = tpu.memref_slice %arg5[%dma_wait3A_216] : memref<512xi32, #tpu.memory_space<vmem>> -> memref<32xi32, #tpu.memory_space<vmem>>
    %dma_wait3A_218 = arith.constant 0 : i32
    %dma_wait3A_219 = arith.constant 0 : i32
    %dma_wait3A_220 = tpu.memref_slice %arg3[%dma_wait3A_218, %dma_wait3A_219] : memref<8192x1024xf32, #tpu.memory_space<hbm>> -> memref<8192x1024xf32, #tpu.memory_space<hbm>>
    tpu.wait_indirect_dma semaphore(%arg10 : memref<!tpu.dma_semaphore, #tpu.memory_space<semaphore_mem>>) src(%dma_wait3A_220 : memref<8192x1024xf32, #tpu.memory_space<hbm>>) dst(%arg7 : memref<32x1024xf32, #tpu.memory_space<vmem>>)
    %add3A_221 = arith.constant 320 : i32
    %add3A_222 = arith.addi %mul3A_2, %add3A_221 : i32
    %dma_start3A_223 = arith.constant 0 : i32
    %dma_start3A_224 = tpu.memref_slice %arg4[%add3A_222, %dma_start3A_223] : memref<16384x1024xf32, #tpu.memory_space<hbm>> -> memref<32x1024xf32, #tpu.memory_space<hbm>>
    %dma_start3A_225 = arith.constant 0 : i32
    %dma_start3A_226 = tpu.memref_slice %arg4[%add3A_222, %dma_start3A_225] : memref<16384x1024xf32, #tpu.memory_space<hbm>> -> memref<32x1024xf32, #tpu.memory_space<hbm>>
    tpu.enqueue_dma source(%arg7 : memref<32x1024xf32, #tpu.memory_space<vmem>>) target(%dma_start3A_226 : memref<32x1024xf32, #tpu.memory_space<hbm>>) target_semaphore(%arg13 : memref<!tpu.dma_semaphore, #tpu.memory_space<semaphore_mem>>)
    %dma_wait3A_227 = arith.constant 0 : i32
    %dma_wait3A_228 = tpu.memref_slice %arg4[%add3A_222, %dma_wait3A_227] : memref<16384x1024xf32, #tpu.memory_space<hbm>> -> memref<32x1024xf32, #tpu.memory_space<hbm>>
    %dma_wait3A_229 = arith.constant 0 : i32
    %dma_wait3A_230 = tpu.memref_slice %arg4[%add3A_222, %dma_wait3A_229] : memref<16384x1024xf32, #tpu.memory_space<hbm>> -> memref<32x1024xf32, #tpu.memory_space<hbm>>
    tpu.wait_dma2 semaphore(%arg13 : memref<!tpu.dma_semaphore, #tpu.memory_space<semaphore_mem>>) src(%arg7 : memref<32x1024xf32, #tpu.memory_space<vmem>>) dst(%dma_wait3A_230 : memref<32x1024xf32, #tpu.memory_space<hbm>>)
    %dma_start3A_231 = arith.constant 416 : i32
    %dma_start3A_232 = tpu.memref_slice %arg5[%dma_start3A_231] : memref<512xi32, #tpu.memory_space<vmem>> -> memref<32xi32, #tpu.memory_space<vmem>>
    %dma_start3A_233 = arith.constant 0 : i32
    %dma_start3A_234 = arith.constant 0 : i32
    %dma_start3A_235 = tpu.memref_slice %arg3[%dma_start3A_233, %dma_start3A_234] : memref<8192x1024xf32, #tpu.memory_space<hbm>> -> memref<8192x1024xf32, #tpu.memory_space<hbm>>
    tpu.enqueue_indirect_dma source(%dma_start3A_235 : memref<8192x1024xf32, #tpu.memory_space<hbm>>) target(%arg7 : memref<32x1024xf32, #tpu.memory_space<vmem>>) offsets(%dma_start3A_232 : memref<32xi32, #tpu.memory_space<vmem>>) semaphore(%arg10 : memref<!tpu.dma_semaphore, #tpu.memory_space<semaphore_mem>>)
    %dma_wait3A_236 = arith.constant 352 : i32
    %dma_wait3A_237 = tpu.memref_slice %arg5[%dma_wait3A_236] : memref<512xi32, #tpu.memory_space<vmem>> -> memref<32xi32, #tpu.memory_space<vmem>>
    %dma_wait3A_238 = arith.constant 0 : i32
    %dma_wait3A_239 = arith.constant 0 : i32
    %dma_wait3A_240 = tpu.memref_slice %arg3[%dma_wait3A_238, %dma_wait3A_239] : memref<8192x1024xf32, #tpu.memory_space<hbm>> -> memref<8192x1024xf32, #tpu.memory_space<hbm>>
    tpu.wait_indirect_dma semaphore(%arg11 : memref<!tpu.dma_semaphore, #tpu.memory_space<semaphore_mem>>) src(%dma_wait3A_240 : memref<8192x1024xf32, #tpu.memory_space<hbm>>) dst(%arg8 : memref<32x1024xf32, #tpu.memory_space<vmem>>)
    %add3A_241 = arith.constant 352 : i32
    %add3A_242 = arith.addi %mul3A_2, %add3A_241 : i32
    %dma_start3A_243 = arith.constant 0 : i32
    %dma_start3A_244 = tpu.memref_slice %arg4[%add3A_242, %dma_start3A_243] : memref<16384x1024xf32, #tpu.memory_space<hbm>> -> memref<32x1024xf32, #tpu.memory_space<hbm>>
    %dma_start3A_245 = arith.constant 0 : i32
    %dma_start3A_246 = tpu.memref_slice %arg4[%add3A_242, %dma_start3A_245] : memref<16384x1024xf32, #tpu.memory_space<hbm>> -> memref<32x1024xf32, #tpu.memory_space<hbm>>
    tpu.enqueue_dma source(%arg8 : memref<32x1024xf32, #tpu.memory_space<vmem>>) target(%dma_start3A_246 : memref<32x1024xf32, #tpu.memory_space<hbm>>) target_semaphore(%arg14 : memref<!tpu.dma_semaphore, #tpu.memory_space<semaphore_mem>>)
    %dma_wait3A_247 = arith.constant 0 : i32
    %dma_wait3A_248 = tpu.memref_slice %arg4[%add3A_242, %dma_wait3A_247] : memref<16384x1024xf32, #tpu.memory_space<hbm>> -> memref<32x1024xf32, #tpu.memory_space<hbm>>
    %dma_wait3A_249 = arith.constant 0 : i32
    %dma_wait3A_250 = tpu.memref_slice %arg4[%add3A_242, %dma_wait3A_249] : memref<16384x1024xf32, #tpu.memory_space<hbm>> -> memref<32x1024xf32, #tpu.memory_space<hbm>>
    tpu.wait_dma2 semaphore(%arg14 : memref<!tpu.dma_semaphore, #tpu.memory_space<semaphore_mem>>) src(%arg8 : memref<32x1024xf32, #tpu.memory_space<vmem>>) dst(%dma_wait3A_250 : memref<32x1024xf32, #tpu.memory_space<hbm>>)
    %dma_start3A_251 = arith.constant 448 : i32
    %dma_start3A_252 = tpu.memref_slice %arg5[%dma_start3A_251] : memref<512xi32, #tpu.memory_space<vmem>> -> memref<32xi32, #tpu.memory_space<vmem>>
    %dma_start3A_253 = arith.constant 0 : i32
    %dma_start3A_254 = arith.constant 0 : i32
    %dma_start3A_255 = tpu.memref_slice %arg3[%dma_start3A_253, %dma_start3A_254] : memref<8192x1024xf32, #tpu.memory_space<hbm>> -> memref<8192x1024xf32, #tpu.memory_space<hbm>>
    tpu.enqueue_indirect_dma source(%dma_start3A_255 : memref<8192x1024xf32, #tpu.memory_space<hbm>>) target(%arg8 : memref<32x1024xf32, #tpu.memory_space<vmem>>) offsets(%dma_start3A_252 : memref<32xi32, #tpu.memory_space<vmem>>) semaphore(%arg11 : memref<!tpu.dma_semaphore, #tpu.memory_space<semaphore_mem>>)
    %dma_wait3A_256 = arith.constant 384 : i32
    %dma_wait3A_257 = tpu.memref_slice %arg5[%dma_wait3A_256] : memref<512xi32, #tpu.memory_space<vmem>> -> memref<32xi32, #tpu.memory_space<vmem>>
    %dma_wait3A_258 = arith.constant 0 : i32
    %dma_wait3A_259 = arith.constant 0 : i32
    %dma_wait3A_260 = tpu.memref_slice %arg3[%dma_wait3A_258, %dma_wait3A_259] : memref<8192x1024xf32, #tpu.memory_space<hbm>> -> memref<8192x1024xf32, #tpu.memory_space<hbm>>
    tpu.wait_indirect_dma semaphore(%arg9 : memref<!tpu.dma_semaphore, #tpu.memory_space<semaphore_mem>>) src(%dma_wait3A_260 : memref<8192x1024xf32, #tpu.memory_space<hbm>>) dst(%arg6 : memref<32x1024xf32, #tpu.memory_space<vmem>>)
    %add3A_261 = arith.constant 384 : i32
    %add3A_262 = arith.addi %mul3A_2, %add3A_261 : i32
    %dma_start3A_263 = arith.constant 0 : i32
    %dma_start3A_264 = tpu.memref_slice %arg4[%add3A_262, %dma_start3A_263] : memref<16384x1024xf32, #tpu.memory_space<hbm>> -> memref<32x1024xf32, #tpu.memory_space<hbm>>
    %dma_start3A_265 = arith.constant 0 : i32
    %dma_start3A_266 = tpu.memref_slice %arg4[%add3A_262, %dma_start3A_265] : memref<16384x1024xf32, #tpu.memory_space<hbm>> -> memref<32x1024xf32, #tpu.memory_space<hbm>>
    tpu.enqueue_dma source(%arg6 : memref<32x1024xf32, #tpu.memory_space<vmem>>) target(%dma_start3A_266 : memref<32x1024xf32, #tpu.memory_space<hbm>>) target_semaphore(%arg12 : memref<!tpu.dma_semaphore, #tpu.memory_space<semaphore_mem>>)
    %dma_wait3A_267 = arith.constant 0 : i32
    %dma_wait3A_268 = tpu.memref_slice %arg4[%add3A_262, %dma_wait3A_267] : memref<16384x1024xf32, #tpu.memory_space<hbm>> -> memref<32x1024xf32, #tpu.memory_space<hbm>>
    %dma_wait3A_269 = arith.constant 0 : i32
    %dma_wait3A_270 = tpu.memref_slice %arg4[%add3A_262, %dma_wait3A_269] : memref<16384x1024xf32, #tpu.memory_space<hbm>> -> memref<32x1024xf32, #tpu.memory_space<hbm>>
    tpu.wait_dma2 semaphore(%arg12 : memref<!tpu.dma_semaphore, #tpu.memory_space<semaphore_mem>>) src(%arg6 : memref<32x1024xf32, #tpu.memory_space<vmem>>) dst(%dma_wait3A_270 : memref<32x1024xf32, #tpu.memory_space<hbm>>)
    %dma_start3A_271 = arith.constant 480 : i32
    %dma_start3A_272 = tpu.memref_slice %arg5[%dma_start3A_271] : memref<512xi32, #tpu.memory_space<vmem>> -> memref<32xi32, #tpu.memory_space<vmem>>
    %dma_start3A_273 = arith.constant 0 : i32
    %dma_start3A_274 = arith.constant 0 : i32
    %dma_start3A_275 = tpu.memref_slice %arg3[%dma_start3A_273, %dma_start3A_274] : memref<8192x1024xf32, #tpu.memory_space<hbm>> -> memref<8192x1024xf32, #tpu.memory_space<hbm>>
    tpu.enqueue_indirect_dma source(%dma_start3A_275 : memref<8192x1024xf32, #tpu.memory_space<hbm>>) target(%arg6 : memref<32x1024xf32, #tpu.memory_space<vmem>>) offsets(%dma_start3A_272 : memref<32xi32, #tpu.memory_space<vmem>>) semaphore(%arg9 : memref<!tpu.dma_semaphore, #tpu.memory_space<semaphore_mem>>)
    %dma_wait3A_276 = arith.constant 416 : i32
    %dma_wait3A_277 = tpu.memref_slice %arg5[%dma_wait3A_276] : memref<512xi32, #tpu.memory_space<vmem>> -> memref<32xi32, #tpu.memory_space<vmem>>
    %dma_wait3A_278 = arith.constant 0 : i32
    %dma_wait3A_279 = arith.constant 0 : i32
    %dma_wait3A_280 = tpu.memref_slice %arg3[%dma_wait3A_278, %dma_wait3A_279] : memref<8192x1024xf32, #tpu.memory_space<hbm>> -> memref<8192x1024xf32, #tpu.memory_space<hbm>>
    tpu.wait_indirect_dma semaphore(%arg10 : memref<!tpu.dma_semaphore, #tpu.memory_space<semaphore_mem>>) src(%dma_wait3A_280 : memref<8192x1024xf32, #tpu.memory_space<hbm>>) dst(%arg7 : memref<32x1024xf32, #tpu.memory_space<vmem>>)
    %add3A_281 = arith.constant 416 : i32
    %add3A_282 = arith.addi %mul3A_2, %add3A_281 : i32
    %dma_start3A_283 = arith.constant 0 : i32
    %dma_start3A_284 = tpu.memref_slice %arg4[%add3A_282, %dma_start3A_283] : memref<16384x1024xf32, #tpu.memory_space<hbm>> -> memref<32x1024xf32, #tpu.memory_space<hbm>>
    %dma_start3A_285 = arith.constant 0 : i32
    %dma_start3A_286 = tpu.memref_slice %arg4[%add3A_282, %dma_start3A_285] : memref<16384x1024xf32, #tpu.memory_space<hbm>> -> memref<32x1024xf32, #tpu.memory_space<hbm>>
    tpu.enqueue_dma source(%arg7 : memref<32x1024xf32, #tpu.memory_space<vmem>>) target(%dma_start3A_286 : memref<32x1024xf32, #tpu.memory_space<hbm>>) target_semaphore(%arg13 : memref<!tpu.dma_semaphore, #tpu.memory_space<semaphore_mem>>)
    %dma_wait3A_287 = arith.constant 448 : i32
    %dma_wait3A_288 = tpu.memref_slice %arg5[%dma_wait3A_287] : memref<512xi32, #tpu.memory_space<vmem>> -> memref<32xi32, #tpu.memory_space<vmem>>
    %dma_wait3A_289 = arith.constant 0 : i32
    %dma_wait3A_290 = arith.constant 0 : i32
    %dma_wait3A_291 = tpu.memref_slice %arg3[%dma_wait3A_289, %dma_wait3A_290] : memref<8192x1024xf32, #tpu.memory_space<hbm>> -> memref<8192x1024xf32, #tpu.memory_space<hbm>>
    tpu.wait_indirect_dma semaphore(%arg11 : memref<!tpu.dma_semaphore, #tpu.memory_space<semaphore_mem>>) src(%dma_wait3A_291 : memref<8192x1024xf32, #tpu.memory_space<hbm>>) dst(%arg8 : memref<32x1024xf32, #tpu.memory_space<vmem>>)
    %add3A_292 = arith.constant 448 : i32
    %add3A_293 = arith.addi %mul3A_2, %add3A_292 : i32
    %dma_start3A_294 = arith.constant 0 : i32
    %dma_start3A_295 = tpu.memref_slice %arg4[%add3A_293, %dma_start3A_294] : memref<16384x1024xf32, #tpu.memory_space<hbm>> -> memref<32x1024xf32, #tpu.memory_space<hbm>>
    %dma_start3A_296 = arith.constant 0 : i32
    %dma_start3A_297 = tpu.memref_slice %arg4[%add3A_293, %dma_start3A_296] : memref<16384x1024xf32, #tpu.memory_space<hbm>> -> memref<32x1024xf32, #tpu.memory_space<hbm>>
    tpu.enqueue_dma source(%arg8 : memref<32x1024xf32, #tpu.memory_space<vmem>>) target(%dma_start3A_297 : memref<32x1024xf32, #tpu.memory_space<hbm>>) target_semaphore(%arg14 : memref<!tpu.dma_semaphore, #tpu.memory_space<semaphore_mem>>)
    %dma_wait3A_298 = arith.constant 480 : i32
    %dma_wait3A_299 = tpu.memref_slice %arg5[%dma_wait3A_298] : memref<512xi32, #tpu.memory_space<vmem>> -> memref<32xi32, #tpu.memory_space<vmem>>
    %dma_wait3A_300 = arith.constant 0 : i32
    %dma_wait3A_301 = arith.constant 0 : i32
    %dma_wait3A_302 = tpu.memref_slice %arg3[%dma_wait3A_300, %dma_wait3A_301] : memref<8192x1024xf32, #tpu.memory_space<hbm>> -> memref<8192x1024xf32, #tpu.memory_space<hbm>>
    tpu.wait_indirect_dma semaphore(%arg9 : memref<!tpu.dma_semaphore, #tpu.memory_space<semaphore_mem>>) src(%dma_wait3A_302 : memref<8192x1024xf32, #tpu.memory_space<hbm>>) dst(%arg6 : memref<32x1024xf32, #tpu.memory_space<vmem>>)
    %add3A_303 = arith.constant 480 : i32
    %add3A_304 = arith.addi %mul3A_2, %add3A_303 : i32
    %dma_start3A_305 = arith.constant 0 : i32
    %dma_start3A_306 = tpu.memref_slice %arg4[%add3A_304, %dma_start3A_305] : memref<16384x1024xf32, #tpu.memory_space<hbm>> -> memref<32x1024xf32, #tpu.memory_space<hbm>>
    %dma_start3A_307 = arith.constant 0 : i32
    %dma_start3A_308 = tpu.memref_slice %arg4[%add3A_304, %dma_start3A_307] : memref<16384x1024xf32, #tpu.memory_space<hbm>> -> memref<32x1024xf32, #tpu.memory_space<hbm>>
    tpu.enqueue_dma source(%arg6 : memref<32x1024xf32, #tpu.memory_space<vmem>>) target(%dma_start3A_308 : memref<32x1024xf32, #tpu.memory_space<hbm>>) target_semaphore(%arg12 : memref<!tpu.dma_semaphore, #tpu.memory_space<semaphore_mem>>)
    %dma_wait3A_309 = arith.constant 0 : i32
    %dma_wait3A_310 = tpu.memref_slice %arg4[%add3A_282, %dma_wait3A_309] : memref<16384x1024xf32, #tpu.memory_space<hbm>> -> memref<32x1024xf32, #tpu.memory_space<hbm>>
    %dma_wait3A_311 = arith.constant 0 : i32
    %dma_wait3A_312 = tpu.memref_slice %arg4[%add3A_282, %dma_wait3A_311] : memref<16384x1024xf32, #tpu.memory_space<hbm>> -> memref<32x1024xf32, #tpu.memory_space<hbm>>
    tpu.wait_dma2 semaphore(%arg13 : memref<!tpu.dma_semaphore, #tpu.memory_space<semaphore_mem>>) src(%arg7 : memref<32x1024xf32, #tpu.memory_space<vmem>>) dst(%dma_wait3A_312 : memref<32x1024xf32, #tpu.memory_space<hbm>>)
    %dma_wait3A_313 = arith.constant 0 : i32
    %dma_wait3A_314 = tpu.memref_slice %arg4[%add3A_293, %dma_wait3A_313] : memref<16384x1024xf32, #tpu.memory_space<hbm>> -> memref<32x1024xf32, #tpu.memory_space<hbm>>
    %dma_wait3A_315 = arith.constant 0 : i32
    %dma_wait3A_316 = tpu.memref_slice %arg4[%add3A_293, %dma_wait3A_315] : memref<16384x1024xf32, #tpu.memory_space<hbm>> -> memref<32x1024xf32, #tpu.memory_space<hbm>>
    tpu.wait_dma2 semaphore(%arg14 : memref<!tpu.dma_semaphore, #tpu.memory_space<semaphore_mem>>) src(%arg8 : memref<32x1024xf32, #tpu.memory_space<vmem>>) dst(%dma_wait3A_316 : memref<32x1024xf32, #tpu.memory_space<hbm>>)
    %dma_wait3A_317 = arith.constant 0 : i32
    %dma_wait3A_318 = tpu.memref_slice %arg4[%add3A_304, %dma_wait3A_317] : memref<16384x1024xf32, #tpu.memory_space<hbm>> -> memref<32x1024xf32, #tpu.memory_space<hbm>>
    %dma_wait3A_319 = arith.constant 0 : i32
    %dma_wait3A_320 = tpu.memref_slice %arg4[%add3A_304, %dma_wait3A_319] : memref<16384x1024xf32, #tpu.memory_space<hbm>> -> memref<32x1024xf32, #tpu.memory_space<hbm>>
    tpu.wait_dma2 semaphore(%arg12 : memref<!tpu.dma_semaphore, #tpu.memory_space<semaphore_mem>>) src(%arg6 : memref<32x1024xf32, #tpu.memory_space<vmem>>) dst(%dma_wait3A_320 : memref<32x1024xf32, #tpu.memory_space<hbm>>)
    return
  }
}

</mosaic_0001>

<sc_bundles>
// kernel: kernel.3.cloned.1.call-start
scs
__scs_entry_jumppad:
0x0: {  	(pc) =	sbr.rel $0x88, $3  }
0x1: {  	(tag) =	ssettag $0x0;
	lr =	simm.s32 $0x1  }
0x2: {  	[smem:$0x3F9F] =	sst lr;
	_ =	strace $0xD0000000  }
0x3: {  	_ = 	snop  }
0x4: {  	_ = 	snop  }
0x5: {  	_ = 	snop  }
0x6: {  	_ = 	snop  }
0x7: {  	_ = 	snop  }
__scs_overlays_trampoline_lowered:
0x8: {  	[smem:$0x3FAE] =	sst s0  }
0x9: {  	[smem:$0x3FAF] =	sst s1  }
0xa: {  	[smem:$0x3FB0] =	sst s2  }
0xb: {  	[smem:$0x3FB1] =	sst s3  }
0xc: {  	[smem:$0x3FB2] =	sst s4  }
0xd: {  	[smem:$0x3FB3] =	sst s5  }
0xe: {  	[smem:$0x3FB4] =	sst s6  }
0xf: {  	[smem:$0x3FB5] =	sst s7  }
0x10: {  	[smem:$0x3FB6] =	sst s8  }
0x11: {  	[smem:$0x3FB7] =	sst s9;
	s0 =	simm.s32 @!p0 $0x0  }
0x12: {  	s1 =	sld [smem:$0x3F9D];
	s0 =	simm.s32 @p0 $0x1  }
0x13: {  	[smem:$0x3FB8] =	sst s0;
	s0 =	simm.s32 @!p1 $0x0  }
0x14: {  	s2 =	sld [smem:$0x3F9C];
	s0 =	simm.s32 @p1 $0x1  }
0x15: {  	[smem:$0x3FB9] =	sst s0;
	s0 =	simm.s32 @!p2 $0x0  }
0x16: {  	s3 =	sld [smem:$0x3FDB];
	s0 =	simm.s32 @p2 $0x1  }
0x17: {  	s4 =	simm.s32 $0x1BF5;
	[smem:$0x3FBB] =	sst s0  }
0x18: {  	s0 =	sld [smem:$0x3F9E];
	_ =	swait.ge [sflag:s4], $0x0  }
0x19: {  	s7 =	sld [smem:$0x3F9F]  }
0x1a: {  	s8 =	sadd.s32 $0xFFFFE003, lr  }
0x1b: {  	s9 =	sadd.s32 $0xFFFFFEF7, lr;
	s5 =	simm.s32 $0xFFFFFFFF;
	p2 =	slt.u32 s8, $0xFFFFF086  }
0x1c: {  	p1 =	slt.u32 s9, $0xF7A;
	s5 =	simm.s32 @!p2 $0x0  }
0x1d: {  	s5 =	simm.s32 @p1 $0x1;
	p0 =	seq.s32 s7, s2  }
0x1e: {  	s7 =	smul.u32 @!p0 $0xF7A, s2;
	p2 =	seq.s32 @!p0 s5, $0x0  }
0x1f: {  	s9 =	smul.u32 $0xF7A, s1;
	s8 =	simm.s32 @!p0 $0x1BF5;
	p2 =	por !p2, p0  }
0x20: {  	[sflag:s8] =	ssyncset.s32 @!p0 $0xFFFFF086;
	s6 =	sadd.s32 @!p0 s3, s7;
	s7 =	simm.s32 @!p0 $0x108  }
0x21: {  	s3 =	sadd.s32 s3, s9;
	s6 =	sadd.s32 @!p0 $0x88, s6;
	s7 =	simm.s32 @p2 $0x1082  }
0x22: {  	[simem:s7], [sflag:s8] =	dma.local @!p0 [hbm:s6], $0xF7A  }
0x23: {  	s9 =	sor.u32 $0xD0000000, s2;
	s6 =	simm.s32 $0x108;
	_ =	swait.ge @!p0 [sflag:s8], $0x0  }
0x24: {  	s3 =	sadd.s32 $0x88, s3;
	s6 =	simm.s32 @!p1 $0x1082;
	[sflag:s4] =	ssyncset.s32 $0xFFFFF086  }
0x25: {  	[simem:s6], [sflag:s4] =	dma.local [hbm:s3], $0xF7A  }
0x26: {  	[smem:$0x3F9F] =	sst s1;
	(tag) =	ssettag s2;
	_ =	strace s9  }
0x27: {  	s1 =	sld [smem:$0x3FAF]  }
0x28: {  	s2 =	sld [smem:$0x3FB0]  }
0x29: {  	s4 =	sld [smem:$0x3FB2]  }
0x2a: {  	p0 =	seq.s32 s5, $0x0;
	s5 =	sld [smem:$0x3FB3]  }
0x2b: {  	s6 =	sld [smem:$0x3FB4]  }
0x2c: {  	s7 =	sld [smem:$0x3FB5]  }
0x2d: {  	s3 =	simm.s32 $0x108;
	s8 =	sld [smem:$0x3FB6]  }
0x2e: {  	s3 =	simm.s32 @!p0 $0x1082;
	s9 =	sld [smem:$0x3FB7]  }
0x2f: {  	lr =	sadd.s32 s0, s3;
	s0 =	sld [smem:$0x3FAE]  }
0x30: {  	s3 =	sld [smem:$0x3FB1]  }
0x31: {  	[smem:$0x3FBA] =	sst s10  }
0x32: {  	s10 =	sld [smem:$0x3FB8];
	_ =	sdelay $0x3  }
0x33: {  	p0 =	seq.s32 s10, $0x1;
	s10 =	sld [smem:$0x3FBA];
	_ =	sdelay $0x3  }
0x34: {  	[smem:$0x3FBA] =	sst s10  }
0x35: {  	s10 =	sld [smem:$0x3FB9];
	_ =	sdelay $0x3  }
0x36: {  	p1 =	seq.s32 s10, $0x1;
	s10 =	sld [smem:$0x3FBA];
	_ =	sdelay $0x3  }
0x37: {  	[smem:$0x3FBA] =	sst s10  }
0x38: {  	s10 =	sld [smem:$0x3FBB]  }
0x39: {  	_ = 	snop;
	(pc) =	sbr.ind lr, $3  }
0x3a: {  	_ = 	snop  }
0x3b: {  	_ = 	snop  }
0x3c: {  	p2 =	seq.s32 s10, $0x1;
	s10 =	sld [smem:$0x3FBA]  }
0x3d: {  	_ =	shalt  }
0x3e: {  	_ =	shalt  }
0x3f: {  	_ =	shalt  }
0x40: {  	_ =	shalt  }
0x41: {  	_ =	shalt  }
0x42: {  	_ =	shalt  }
0x43: {  	_ =	shalt  }
0x44: {  	_ =	shalt  }
0x45: {  	_ =	shalt  }
0x46: {  	_ =	shalt  }
0x47: {  	_ =	shalt  }
0x48: {  	_ =	shalt  }
0x49: {  	_ =	shalt  }
0x4a: {  	_ =	shalt  }
0x4b: {  	_ =	shalt  }
0x4c: {  	_ =	shalt  }
0x4d: {  	_ =	shalt  }
0x4e: {  	_ =	shalt  }
0x4f: {  	_ =	shalt  }
0x50: {  	_ =	shalt  }
0x51: {  	_ =	shalt  }
0x52: {  	_ =	shalt  }
0x53: {  	_ =	shalt  }
0x54: {  	_ =	shalt  }
0x55: {  	_ =	shalt  }
0x56: {  	_ =	shalt  }
0x57: {  	_ =	shalt  }
0x58: {  	_ =	shalt  }
0x59: {  	_ =	shalt  }
0x5a: {  	_ =	shalt  }
0x5b: {  	_ =	shalt  }
0x5c: {  	_ =	shalt  }
0x5d: {  	_ =	shalt  }
0x5e: {  	_ =	shalt  }
0x5f: {  	_ =	shalt  }
0x60: {  	_ =	shalt  }
0x61: {  	_ =	shalt  }
0x62: {  	_ =	shalt  }
0x63: {  	_ =	shalt  }
0x64: {  	_ =	shalt  }
0x65: {  	_ =	shalt  }
0x66: {  	_ =	shalt  }
0x67: {  	_ =	shalt  }
0x68: {  	_ =	shalt  }
0x69: {  	_ =	shalt  }
0x6a: {  	_ =	shalt  }
0x6b: {  	_ =	shalt  }
0x6c: {  	_ =	shalt  }
0x6d: {  	_ =	shalt  }
0x6e: {  	_ =	shalt  }
0x6f: {  	_ =	shalt  }
0x70: {  	_ =	shalt  }
0x71: {  	_ =	shalt  }
0x72: {  	_ =	shalt  }
0x73: {  	_ =	shalt  }
0x74: {  	_ =	shalt  }
0x75: {  	_ =	shalt  }
0x76: {  	_ =	shalt  }
0x77: {  	_ =	shalt  }
0x78: {  	_ =	shalt  }
0x79: {  	_ =	shalt  }
0x7a: {  	_ =	shalt  }
0x7b: {  	_ =	shalt  }
0x7c: {  	_ =	shalt  }
0x7d: {  	_ =	shalt  }
0x7e: {  	_ =	shalt  }
0x7f: {  	_ =	shalt  }
0x80: {  	_ =	shalt  }
0x81: {  	_ =	shalt  }
0x82: {  	_ =	shalt  }
0x83: {  	_ =	shalt  }
0x84: {  	_ =	shalt  }
0x85: {  	_ =	shalt  }
0x86: {  	_ =	shalt  }
0x87: {  	_ =	shalt  }
.Lfunc_end0:
.L_simem_size_0:
called_computation_lowered:
.L_overlay_start_0:
0x88: {  	s2 =	sld [smem:$0x3FD9]  }
0x89: {  	s3 =	sld [smem:$0x3FFE];
	_ =	sdelay $0x1  }
0x8a: {  	s1 =	srdreg.scid  }
0x8b: {  	s0 =	sand.u32 $0x1, s1  }
0x8c: {  	s17 =	sshll.u32 s0, $0xA;
	s2 =	sadd.s32 s3, s2  }
0x8d: {  	s2 =	sadd.s32 s2, s17  }
0x8e: {  	[smem:$0x3FC6] =	sst s2  }
0x8f: {  	_ = 	snop  }
0x90: {  	s2 =	sld [smem:$0x3FC8]  }
0x91: {  	s18 =	sld [smem:$0x3FD0];
	(tm) =	ssettm $0x1  }
0x92: {  	s4 =	sld [smem:$0x3FFB];
	_ =	sdelay $0x3  }
0x93: {  	_ =	strace s4  }
0x94: {  	s4 =	sld [smem:$0x3FFC];
	_ =	sdelay $0x3  }
0x95: {  	_ =	strace s4  }
0x96: {  	s4 =	sld [smem:$0x3FFD];
	_ =	sdelay $0x3  }
0x97: {  	_ =	strace s4  }
0x98: {  	_ =	strace $0x8FFFFFFF  }
0x99: {  	s19 =	sld [smem:$0x3FDB];
	_ =	sdelay $0x1  }
0x9a: {  	s5 =	simm.s32 $_scs_section_size  }
0x9b: {  	s6 =	simm.s32 $_size__tile_overlayer_lowered;
	s7 =	simm.s32 $_tile_overlayer_lowered  }
0x9c: {  	s22 =	simm.s32 $0x1BFF;
	s21 =	sshll.u32 s7, $0x1;
	s4 =	sadd.s32 s5, s19  }
0x9d: {  	s8 =	simm.s32 $0x0;
	s20 =	sshll.u32 s6, $0x1;
	s6 =	sadd.s32 s21, s4  }
0x9e: {  	[timem:s8], [sflag:s22] =	dma.local [hbm:s6], s20  }
0x9f: {  	_ =	swait.ge [sflag:s22], s20  }
0xa0: {  	s5 =	ssub.s32 $0x0, s20;
	[sflag:s22] =	ssyncset.done $0x0  }
0xa1: {  	[sflag:s22] =	ssyncadd.s32 s5;
	_ =	sdelay $0x1  }
0xa2: {  	s23 =	simm.s32 $0x1B8B  }
0xa3: {  	_ =	swait.ge [sflag:s23], $0x1  }
0xa4: {  	[sflag:s23] =	ssyncset.done $0x0  }
0xa5: {  	s25 =	simm.s32 $0x1B8E;
	s24 =	sld [smem:$0x3FFE];
	[sflag:s23] =	ssyncadd.s32 $0xFFFFFFFF  }
0xa6: {  	s26 =	simm.s32 $execute0_lowered;
	[smem:$0x3FD2] =	sst s25  }
0xa7: {  	s6 =	sshll.u32 s26, $0x1;
	_ =	strace $0x80000046;
	[dreg:$0x1] =	wrdreg $0xFFFFFFFF  }
0xa8: {  	s28 =	simm.s32 $_size_execute0_lowered;
	s4 =	sadd.s32 s4, s6;
	[dreg:$0x0] =	wrdreg $0x0  }
0xa9: {  	s6 =	sshll.u32 s28, $0x1;
	[dreg:$0x2] =	wrdreg s4  }
0xaa: {  	[dreg:$0x3] =	wrdreg s6  }
0xab: {  	[dreg:$0x4] =	wrdreg $0xC0  }
0xac: {  	_ =	task [dreg:s8], $0x5FFFF  }
0xad: {  	[dreg:$0x1] =	wrdreg $0xFFFFFFFF  }
0xae: {  	[dreg:$0x0] =	wrdreg $0x60  }
0xaf: {  	[dreg:$0x2] =	wrdreg s24  }
0xb0: {  	[dreg:$0x3] =	wrdreg s2  }
0xb1: {  	[dreg:$0x4] =	wrdreg s18  }
0xb2: {  	[dreg:$0x5] =	wrdreg $0x9  }
0xb3: {  	_ =	task.clear_ibuf [dreg:s8], $0x6FFFF;
	_ =	strace $0x90000046  }
0xb4: {  	s29 =	simm.s32 $0x9;
	_ =	strace $0x80000048  }
0xb5: {  	_ =	swait.ge [sflag:s29], $0x1  }
0xb6: {  	[sflag:s29] =	ssyncadd.s32 $0xFFFFFFFF  }
0xb7: {  	_ =	strace $0x90000048  }
0xb8: {  	_ =	sfence  }
0xb9: {  	s30 =	sld [smem:$0x0];
	_ =	sdelay $0x2  }
0xba: {  	s31 =	sshll.u32 s1, $0xD;
	s1 =	sshrl.u32 s1, $0x2  }
0xbb: {  	s3 =	sand.u32 $0x4000, s31;
	s1 =	sadd.s32 s1, s30  }
0xbc: {  	s0 =	sor.u32 s3, s0;
	s1 =	sshll.u32 s1, $0x11  }
0xbd: {  	s0 =	sor.u32 s1, s0  }
0xbe: {  	s0 =	sadd.s32 $0x8F2B, s0  }
0xbf: {  	[sflag:s0] =	ssyncadd.remote.s32 $0x1  }
0xc0: {  	_ =	sfence.sel $0xFFFF  }
0xc1: {  	[dreg:$0x0] =	wrdreg $0xFFFFFFFF;
	(pc) =	sbr.abs _section_cstart, $3  }
0xc2: {  	[dreg:$0x1] =	wrdreg $0xFFFFFFFF  }
0xc3: {  	_ =	task.clear_ibuf [dreg:s8], $0x2FFFF;
	_ =	strace $0x9FFFFFFF  }
0xc4: {  	(tm) =	ssettm $0x7FFFFFFF  }
0xc5: {  	_ =	shalt  }
tec
execute0_lowered:
.L_overlay_start_1:
0x0: {  	(tag) =	ssettag $0x1  }
0x1: {  	s0 =	srdreg.scid  }
0x2: {  	s1 =	rddreg [dreg:$0x0];
	s3 =	stileid.u32;
	s0 =	sand.u32 $0x1, s0  }
0x3: {  	s2 =	rddreg [dreg:$0x1];
	s3 =	sshll.u32 s3, $0xA;
	s4 =	sshll.u32 s0, $0x9  }
0x4: {  	s5 =	rddreg [dreg:$0x2];
	s4 =	sor.u32 s4, s3  }
0x5: {  	s3 =	simm.s32 $0x0;
	s6 =	sshrl.u32 s4, $0x3;
	s4 =	sshll.u32 s4, $0x7  }
0x6: {  	[smem:$0x7FF] =	sst s3;
	s1 =	sadd.s32 s6, s1;
	s8 =	sadd.s32 s5, s4  }
0x7: {  	_ =	strace $0x80000047;
	s1 =	sadd.s32 $0x400, s1;
	[dreg:$0x14] =	wrdreg s8  }
0x8: {  	s13 =	sadd.s32 $0x1000, s8;
	[dreg:$0x4] =	wrdreg s1  }
0x9: {  	s14 =	sadd.s32 $0x2000, s8;
	[dreg:$0x5] =	wrdreg s13  }
0xa: {  	s15 =	sadd.s32 $0x3000, s8;
	[dreg:$0x6] =	wrdreg s14  }
0xb: {  	s16 =	sadd.s32 $0x4000, s8;
	[dreg:$0x7] =	wrdreg s15  }
0xc: {  	s29 =	simm.s32 $0x1;
	s17 =	sadd.s32 $0x5000, s8;
	[dreg:$0x8] =	wrdreg s16  }
0xd: {  	s30 =	simm.s32 $0x4;
	s18 =	sadd.s32 $0x6000, s8;
	[dreg:$0x9] =	wrdreg s17  }
0xe: {  	s10 =	simm.s32 $0x2;
	s19 =	sadd.s32 $0x7000, s8;
	[dreg:$0xa] =	wrdreg s18  }
0xf: {  	s7 =	sadd.s32 $0x300, s2;
	s20 =	sadd.s32 $0x8000, s8;
	[dreg:$0xb] =	wrdreg s19  }
0x10: {  	s0 =	ssub.s32 $0x2, s0;
	s21 =	sadd.s32 $0x9000, s8;
	[dreg:$0xc] =	wrdreg s20  }
0x11: {  	s23 =	sshrl.u32 s0, $0x1;
	s22 =	sadd.s32 $0xA000, s8;
	[dreg:$0xd] =	wrdreg s21  }
0x12: {  	s0 =	ssub.s32 s0, s23;
	s24 =	sadd.s32 $0xB000, s8;
	[dreg:$0xe] =	wrdreg s22  }
0x13: {  	s5 =	sadd.s32 $0x100, s2;
	s25 =	sadd.s32 $0xC000, s8;
	[dreg:$0xf] =	wrdreg s24  }
0x14: {  	s6 =	sadd.s32 $0x200, s2;
	s26 =	sadd.s32 $0xD000, s8;
	[dreg:$0x10] =	wrdreg s25  }
0x15: {  	v2 =	vlaneseq.u32;
	s4 =	simm.s32 $0x6;
	s28 =	sadd.s32 $0xE000, s8;
	[dreg:$0x11] =	wrdreg s26  }
0x16: {  	vm0 =	vmmov $0xffff;
	v1 =	vshrl.u32 v2, $0x3;
	s31 =	sadd.s32 $0xF000, s8;
	s8 =	smax.u32 s0, $0x1;
	[dreg:$0x12] =	wrdreg s28  }
0x17: {  	v0 =	vand.u32 $0x7, v2;
	v2 =	vor.u32 $0x8, v2;
	v1 =	vmul.u32 $0x8, v1;
	s0 =	simm.s32 $0x3;
	[dreg:$0x13] =	wrdreg s31;
	s1 =	simm.s32 $0x5  }
.LBB2_1:
0x18: {  	[dreg:$0x15] =	wrdreg s8  }
0x19: {  	s28 =	rddreg [dreg:$0x4];
	s17 =	simm.s32 $0x7  }
0x1a: {  	[tilespmem:s3], [sflag:$0x7] =	stream.linear.gather [hbm4b:s28+s3], $0x200, $0x38;
	[tilespmem:$0x18200] =	vst v63  }
0x1b: {  	_ =	swait.ge [sflag:s17], $0x200  }
0x1c: {  	[sflag:s17] =	ssyncset.done $0x0  }
0x1d: {  	[sflag:s17] =	ssyncadd.s32 $0xFFFFFE00  }
0x1e: {  	v3 =	vld [tilespmem:$0x0];
	_ =	sdelay $0x4  }
0x1f: {  	v4 =	vshll.u32 v3, $0x3  }
0x20: {  	v3 =	vand.u32 $0x7, v3;
	v4 =	vand.u32 $0xFFFFFFC0, v4  }
0x21: {  	v3 =	vor.u32 v3, v4  }
0x22: {  	v4 =	vperm.xlane v3, v0;
	_ =	sdelay $0x1  }
0x23: {  	v4 =	vadd.s32 v1, v4;
	_ =	sdelay $0x3  }
0x24: {  	s18 =	simm.s32 $0x200  }
0x25: {  	[tilespmem:s18], [sflag:$0x1] =	stream.indirect_vreg.gather [hbm4b:s2+s3], $0x80, v4, vm0, $0xb8;
	[tilespmem:$0x18200] =	vst v63  }
0x26: {  	s11 =	simm.s32 $0xA00;
	v3 =	vperm.xlane v3, v2  }
0x27: {  	[tilespmem:s11], [sflag:$0x1] =	stream.indirect_vreg.gather [hbm4b:s5+s3], $0x80, v4, vm0, $0xb8;
	[tilespmem:$0x18200] =	vst v63  }
0x28: {  	s19 =	simm.s32 $0x1200;
	v3 =	vadd.s32 v1, v3  }
0x29: {  	[tilespmem:s19], [sflag:$0x1] =	stream.indirect_vreg.gather [hbm4b:s6+s3], $0x80, v4, vm0, $0xb8;
	[tilespmem:$0x18200] =	vst v63  }
0x2a: {  	s20 =	simm.s32 $0x1A00  }
0x2b: {  	[tilespmem:s20], [sflag:$0x1] =	stream.indirect_vreg.gather [hbm4b:s7+s3], $0x80, v4, vm0, $0xb8;
	[tilespmem:$0x18200] =	vst v63  }
0x2c: {  	s21 =	simm.s32 $0x2200  }
0x2d: {  	[tilespmem:s21], [sflag:$0x1] =	stream.indirect_vreg.gather [hbm4b:s2+s3], $0x80, v3, vm0, $0xb8;
	[tilespmem:$0x18200] =	vst v63  }
0x2e: {  	s22 =	simm.s32 $0x2A00  }
0x2f: {  	[tilespmem:s22], [sflag:$0x1] =	stream.indirect_vreg.gather [hbm4b:s5+s3], $0x80, v3, vm0, $0xb8;
	[tilespmem:$0x18200] =	vst v63  }
0x30: {  	s23 =	simm.s32 $0x3200  }
0x31: {  	[tilespmem:s23], [sflag:$0x1] =	stream.indirect_vreg.gather [hbm4b:s6+s3], $0x80, v3, vm0, $0xb8;
	[tilespmem:$0x18200] =	vst v63  }
0x32: {  	s24 =	simm.s32 $0x3A00  }
0x33: {  	[tilespmem:s24], [sflag:$0x1] =	stream.indirect_vreg.gather [hbm4b:s7+s3], $0x80, v3, vm0, $0xb8;
	[tilespmem:$0x18200] =	vst v63  }
0x34: {  	v3 =	vld [tilespmem:$0x10];
	_ =	sdelay $0x4  }
0x35: {  	v33 =	vshll.u32 v3, $0x3  }
0x36: {  	v3 =	vand.u32 $0x7, v3;
	v4 =	vand.u32 $0xFFFFFFC0, v33  }
0x37: {  	v3 =	vor.u32 v3, v4  }
0x38: {  	v4 =	vperm.xlane v3, v0;
	_ =	sdelay $0x1  }
0x39: {  	v4 =	vadd.s32 v1, v4;
	_ =	sdelay $0x3  }
0x3a: {  	s25 =	simm.s32 $0x4200  }
0x3b: {  	[tilespmem:s25], [sflag:$0x1] =	stream.indirect_vreg.gather [hbm4b:s2+s3], $0x80, v4, vm0, $0xb8;
	[tilespmem:$0x18200] =	vst v63  }
0x3c: {  	s26 =	simm.s32 $0x4A00;
	v3 =	vperm.xlane v3, v2  }
0x3d: {  	[tilespmem:s26], [sflag:$0x1] =	stream.indirect_vreg.gather [hbm4b:s5+s3], $0x80, v4, vm0, $0xb8;
	[tilespmem:$0x18200] =	vst v63  }
0x3e: {  	s28 =	simm.s32 $0x5200;
	v3 =	vadd.s32 v1, v3  }
0x3f: {  	[tilespmem:s28], [sflag:$0x1] =	stream.indirect_vreg.gather [hbm4b:s6+s3], $0x80, v4, vm0, $0xb8;
	[tilespmem:$0x18200] =	vst v63  }
0x40: {  	s31 =	simm.s32 $0x5A00  }
0x41: {  	[tilespmem:s31], [sflag:$0x1] =	stream.indirect_vreg.gather [hbm4b:s7+s3], $0x80, v4, vm0, $0xb8;
	[tilespmem:$0x18200] =	vst v63  }
0x42: {  	s8 =	simm.s32 $0x6200  }
0x43: {  	[tilespmem:s8], [sflag:$0x1] =	stream.indirect_vreg.gather [hbm4b:s2+s3], $0x80, v3, vm0, $0xb8;
	[tilespmem:$0x18200] =	vst v63  }
0x44: {  	s9 =	simm.s32 $0x6A00  }
0x45: {  	[tilespmem:s9], [sflag:$0x1] =	stream.indirect_vreg.gather [hbm4b:s5+s3], $0x80, v3, vm0, $0xb8;
	[tilespmem:$0x18200] =	vst v63  }
0x46: {  	s13 =	simm.s32 $0x7200  }
0x47: {  	[tilespmem:s13], [sflag:$0x1] =	stream.indirect_vreg.gather [hbm4b:s6+s3], $0x80, v3, vm0, $0xb8;
	[tilespmem:$0x18200] =	vst v63  }
0x48: {  	s14 =	simm.s32 $0x7A00  }
0x49: {  	[tilespmem:s14], [sflag:$0x1] =	stream.indirect_vreg.gather [hbm4b:s7+s3], $0x80, v3, vm0, $0xb8;
	[tilespmem:$0x18200] =	vst v63  }
0x4a: {  	v3 =	vld [tilespmem:$0x20];
	_ =	sdelay $0x4  }
0x4b: {  	v34 =	vshll.u32 v3, $0x3  }
0x4c: {  	v3 =	vand.u32 $0x7, v3;
	v4 =	vand.u32 $0xFFFFFFC0, v34  }
0x4d: {  	v3 =	vor.u32 v3, v4  }
0x4e: {  	v4 =	vperm.xlane v3, v0;
	_ =	sdelay $0x1  }
0x4f: {  	v4 =	vadd.s32 v1, v4;
	_ =	sdelay $0x3  }
0x50: {  	s9 =	simm.s32 $0x8200  }
0x51: {  	[tilespmem:s9], [sflag:$0x2] =	stream.indirect_vreg.gather [hbm4b:s2+s3], $0x80, v4, vm0, $0xb8;
	[tilespmem:$0x18200] =	vst v63  }
0x52: {  	s15 =	simm.s32 $0x8A00;
	v3 =	vperm.xlane v3, v2  }
0x53: {  	[tilespmem:s15], [sflag:$0x2] =	stream.indirect_vreg.gather [hbm4b:s5+s3], $0x80, v4, vm0, $0xb8;
	[tilespmem:$0x18200] =	vst v63  }
0x54: {  	s19 =	simm.s32 $0x9200;
	v3 =	vadd.s32 v1, v3  }
0x55: {  	[tilespmem:s19], [sflag:$0x2] =	stream.indirect_vreg.gather [hbm4b:s6+s3], $0x80, v4, vm0, $0xb8;
	[tilespmem:$0x18200] =	vst v63  }
0x56: {  	s20 =	simm.s32 $0x9A00  }
0x57: {  	[tilespmem:s20], [sflag:$0x2] =	stream.indirect_vreg.gather [hbm4b:s7+s3], $0x80, v4, vm0, $0xb8;
	[tilespmem:$0x18200] =	vst v63  }
0x58: {  	s23 =	simm.s32 $0xA200  }
0x59: {  	[tilespmem:s23], [sflag:$0x2] =	stream.indirect_vreg.gather [hbm4b:s2+s3], $0x80, v3, vm0, $0xb8;
	[tilespmem:$0x18200] =	vst v63  }
0x5a: {  	s24 =	simm.s32 $0xAA00  }
0x5b: {  	[tilespmem:s24], [sflag:$0x2] =	stream.indirect_vreg.gather [hbm4b:s5+s3], $0x80, v3, vm0, $0xb8;
	[tilespmem:$0x18200] =	vst v63  }
0x5c: {  	s25 =	simm.s32 $0xB200  }
0x5d: {  	[tilespmem:s25], [sflag:$0x2] =	stream.indirect_vreg.gather [hbm4b:s6+s3], $0x80, v3, vm0, $0xb8;
	[tilespmem:$0x18200] =	vst v63  }
0x5e: {  	s26 =	simm.s32 $0xBA00  }
0x5f: {  	[tilespmem:s26], [sflag:$0x2] =	stream.indirect_vreg.gather [hbm4b:s7+s3], $0x80, v3, vm0, $0xb8;
	[tilespmem:$0x18200] =	vst v63  }
0x60: {  	v3 =	vld [tilespmem:$0x30];
	_ =	sdelay $0x4  }
0x61: {  	v35 =	vshll.u32 v3, $0x3  }
0x62: {  	v3 =	vand.u32 $0x7, v3;
	v4 =	vand.u32 $0xFFFFFFC0, v35  }
0x63: {  	v3 =	vor.u32 v3, v4  }
0x64: {  	v4 =	vperm.xlane v3, v0;
	_ =	sdelay $0x1  }
0x65: {  	v4 =	vadd.s32 v1, v4;
	_ =	sdelay $0x3  }
0x66: {  	s28 =	simm.s32 $0xC200  }
0x67: {  	[tilespmem:s28], [sflag:$0x2] =	stream.indirect_vreg.gather [hbm4b:s2+s3], $0x80, v4, vm0, $0xb8;
	[tilespmem:$0x18200] =	vst v63  }
0x68: {  	s31 =	simm.s32 $0xCA00;
	v3 =	vperm.xlane v3, v2  }
0x69: {  	[tilespmem:s31], [sflag:$0x2] =	stream.indirect_vreg.gather [hbm4b:s5+s3], $0x80, v4, vm0, $0xb8;
	[tilespmem:$0x18200] =	vst v63  }
0x6a: {  	s9 =	simm.s32 $0xD200;
	v3 =	vadd.s32 v1, v3  }
0x6b: {  	[tilespmem:s9], [sflag:$0x2] =	stream.indirect_vreg.gather [hbm4b:s6+s3], $0x80, v4, vm0, $0xb8;
	[tilespmem:$0x18200] =	vst v63  }
0x6c: {  	s11 =	simm.s32 $0xDA00  }
0x6d: {  	[tilespmem:s11], [sflag:$0x2] =	stream.indirect_vreg.gather [hbm4b:s7+s3], $0x80, v4, vm0, $0xb8;
	[tilespmem:$0x18200] =	vst v63  }
0x6e: {  	s13 =	simm.s32 $0xE200  }
0x6f: {  	[tilespmem:s13], [sflag:$0x2] =	stream.indirect_vreg.gather [hbm4b:s2+s3], $0x80, v3, vm0, $0xb8;
	[tilespmem:$0x18200] =	vst v63  }
0x70: {  	s14 =	simm.s32 $0xEA00  }
0x71: {  	[tilespmem:s14], [sflag:$0x2] =	stream.indirect_vreg.gather [hbm4b:s5+s3], $0x80, v3, vm0, $0xb8;
	[tilespmem:$0x18200] =	vst v63  }
0x72: {  	s15 =	simm.s32 $0xF200  }
0x73: {  	[tilespmem:s15], [sflag:$0x2] =	stream.indirect_vreg.gather [hbm4b:s6+s3], $0x80, v3, vm0, $0xb8;
	[tilespmem:$0x18200] =	vst v63  }
0x74: {  	s19 =	simm.s32 $0xFA00  }
0x75: {  	[tilespmem:s19], [sflag:$0x2] =	stream.indirect_vreg.gather [hbm4b:s7+s3], $0x80, v3, vm0, $0xb8;
	[tilespmem:$0x18200] =	vst v63  }
0x76: {  	v3 =	vld [tilespmem:$0x40];
	_ =	sdelay $0x4  }
0x77: {  	v36 =	vshll.u32 v3, $0x3  }
0x78: {  	v3 =	vand.u32 $0x7, v3;
	v4 =	vand.u32 $0xFFFFFFC0, v36  }
0x79: {  	v3 =	vor.u32 v3, v4  }
0x7a: {  	v4 =	vperm.xlane v3, v0;
	_ =	sdelay $0x1  }
0x7b: {  	v4 =	vadd.s32 v1, v4;
	_ =	sdelay $0x3  }
0x7c: {  	s20 =	simm.s32 $0x10200  }
0x7d: {  	[tilespmem:s20], [sflag:$0x3] =	stream.indirect_vreg.gather [hbm4b:s2+s3], $0x80, v4, vm0, $0xb8;
	[tilespmem:$0x18200] =	vst v63  }
0x7e: {  	s13 =	simm.s32 $0x10A00;
	v3 =	vperm.xlane v3, v2  }
0x7f: {  	[tilespmem:s13], [sflag:$0x3] =	stream.indirect_vreg.gather [hbm4b:s5+s3], $0x80, v4, vm0, $0xb8;
	[tilespmem:$0x18200] =	vst v63  }
0x80: {  	s26 =	simm.s32 $0x11200;
	v3 =	vadd.s32 v1, v3  }
0x81: {  	[tilespmem:s26], [sflag:$0x3] =	stream.indirect_vreg.gather [hbm4b:s6+s3], $0x80, v4, vm0, $0xb8;
	[tilespmem:$0x18200] =	vst v63  }
0x82: {  	s28 =	simm.s32 $0x11A00  }
0x83: {  	[tilespmem:s28], [sflag:$0x3] =	stream.indirect_vreg.gather [hbm4b:s7+s3], $0x80, v4, vm0, $0xb8;
	[tilespmem:$0x18200] =	vst v63  }
0x84: {  	s8 =	simm.s32 $0x12200  }
0x85: {  	[tilespmem:s8], [sflag:$0x3] =	stream.indirect_vreg.gather [hbm4b:s2+s3], $0x80, v3, vm0, $0xb8;
	[tilespmem:$0x18200] =	vst v63  }
0x86: {  	s9 =	simm.s32 $0x12A00  }
0x87: {  	[tilespmem:s9], [sflag:$0x3] =	stream.indirect_vreg.gather [hbm4b:s5+s3], $0x80, v3, vm0, $0xb8;
	[tilespmem:$0x18200] =	vst v63  }
0x88: {  	s14 =	simm.s32 $0x13200  }
0x89: {  	[tilespmem:s14], [sflag:$0x3] =	stream.indirect_vreg.gather [hbm4b:s6+s3], $0x80, v3, vm0, $0xb8;
	[tilespmem:$0x18200] =	vst v63  }
0x8a: {  	s15 =	simm.s32 $0x13A00  }
0x8b: {  	[tilespmem:s15], [sflag:$0x3] =	stream.indirect_vreg.gather [hbm4b:s7+s3], $0x80, v3, vm0, $0xb8;
	[tilespmem:$0x18200] =	vst v63  }
0x8c: {  	v3 =	vld [tilespmem:$0x50];
	_ =	sdelay $0x4  }
0x8d: {  	v37 =	vshll.u32 v3, $0x3  }
0x8e: {  	v3 =	vand.u32 $0x7, v3;
	v4 =	vand.u32 $0xFFFFFFC0, v37  }
0x8f: {  	v3 =	vor.u32 v3, v4  }
0x90: {  	v4 =	vperm.xlane v3, v0;
	_ =	sdelay $0x1  }
0x91: {  	v4 =	vadd.s32 v1, v4;
	_ =	sdelay $0x3  }
0x92: {  	s19 =	simm.s32 $0x14200  }
0x93: {  	[tilespmem:s19], [sflag:$0x3] =	stream.indirect_vreg.gather [hbm4b:s2+s3], $0x80, v4, vm0, $0xb8;
	[tilespmem:$0x18200] =	vst v63  }
0x94: {  	s20 =	simm.s32 $0x14A00;
	v3 =	vperm.xlane v3, v2  }
0x95: {  	[tilespmem:s20], [sflag:$0x3] =	stream.indirect_vreg.gather [hbm4b:s5+s3], $0x80, v4, vm0, $0xb8;
	[tilespmem:$0x18200] =	vst v63  }
0x96: {  	s26 =	simm.s32 $0x15200;
	v3 =	vadd.s32 v1, v3  }
0x97: {  	[tilespmem:s26], [sflag:$0x3] =	stream.indirect_vreg.gather [hbm4b:s6+s3], $0x80, v4, vm0, $0xb8;
	[tilespmem:$0x18200] =	vst v63  }
0x98: {  	s28 =	simm.s32 $0x15A00  }
0x99: {  	[tilespmem:s28], [sflag:$0x3] =	stream.indirect_vreg.gather [hbm4b:s7+s3], $0x80, v4, vm0, $0xb8;
	[tilespmem:$0x18200] =	vst v63  }
0x9a: {  	s8 =	simm.s32 $0x16200  }
0x9b: {  	[tilespmem:s8], [sflag:$0x3] =	stream.indirect_vreg.gather [hbm4b:s2+s3], $0x80, v3, vm0, $0xb8;
	[tilespmem:$0x18200] =	vst v63  }
0x9c: {  	s9 =	simm.s32 $0x16A00  }
0x9d: {  	[tilespmem:s9], [sflag:$0x3] =	stream.indirect_vreg.gather [hbm4b:s5+s3], $0x80, v3, vm0, $0xb8;
	[tilespmem:$0x18200] =	vst v63  }
0x9e: {  	s14 =	simm.s32 $0x17200  }
0x9f: {  	[tilespmem:s14], [sflag:$0x3] =	stream.indirect_vreg.gather [hbm4b:s6+s3], $0x80, v3, vm0, $0xb8;
	[tilespmem:$0x18200] =	vst v63  }
0xa0: {  	s15 =	simm.s32 $0x17A00  }
0xa1: {  	[tilespmem:s15], [sflag:$0x3] =	stream.indirect_vreg.gather [hbm4b:s7+s3], $0x80, v3, vm0, $0xb8;
	[tilespmem:$0x18200] =	vst v63  }
0xa2: {  	_ =	swait.ge [sflag:s29], $0x8000  }
0xa3: {  	[sflag:s29] =	ssyncset.done $0x0  }
0xa4: {  	s20 =	simm.s32 $0x200;
	s19 =	rddreg [dreg:$0x14];
	[sflag:s29] =	ssyncadd.s32 $0xFFFF8000  }
0xa5: {  	[hbm4b:s19+s3] =	stream.linear.scatter [tilespmem:s20], [sflag:$0x4], $0x8000, $0x38;
	[tilespmem:$0x18200] =	vst v63  }
0xa6: {  	_ =	swait.ge [sflag:s30], $0x8000  }
0xa7: {  	[sflag:s30] =	ssyncset.done $0x0  }
0xa8: {  	[sflag:s30] =	ssyncadd.s32 $0xFFFF8000  }
0xa9: {  	v3 =	vld [tilespmem:$0x60];
	_ =	sdelay $0x4  }
0xaa: {  	v38 =	vshll.u32 v3, $0x3  }
0xab: {  	v3 =	vand.u32 $0x7, v3;
	v4 =	vand.u32 $0xFFFFFFC0, v38  }
0xac: {  	v3 =	vor.u32 v3, v4  }
0xad: {  	v4 =	vperm.xlane v3, v0;
	_ =	sdelay $0x1  }
0xae: {  	v4 =	vadd.s32 v1, v4;
	_ =	sdelay $0x4  }
0xaf: {  	[tilespmem:s20], [sflag:$0x1] =	stream.indirect_vreg.gather [hbm4b:s2+s3], $0x80, v4, vm0, $0xb8;
	[tilespmem:$0x18200] =	vst v63  }
0xb0: {  	s12 =	simm.s32 $0xA00;
	v3 =	vperm.xlane v3, v2  }
0xb1: {  	[tilespmem:s12], [sflag:$0x1] =	stream.indirect_vreg.gather [hbm4b:s5+s3], $0x80, v4, vm0, $0xb8;
	[tilespmem:$0x18200] =	vst v63  }
0xb2: {  	s26 =	simm.s32 $0x1200;
	v3 =	vadd.s32 v1, v3  }
0xb3: {  	[tilespmem:s26], [sflag:$0x1] =	stream.indirect_vreg.gather [hbm4b:s6+s3], $0x80, v4, vm0, $0xb8;
	[tilespmem:$0x18200] =	vst v63  }
0xb4: {  	s12 =	simm.s32 $0x1A00  }
0xb5: {  	[tilespmem:s12], [sflag:$0x1] =	stream.indirect_vreg.gather [hbm4b:s7+s3], $0x80, v4, vm0, $0xb8;
	[tilespmem:$0x18200] =	vst v63  }
0xb6: {  	s13 =	simm.s32 $0x2200  }
0xb7: {  	[tilespmem:s13], [sflag:$0x1] =	stream.indirect_vreg.gather [hbm4b:s2+s3], $0x80, v3, vm0, $0xb8;
	[tilespmem:$0x18200] =	vst v63  }
0xb8: {  	s14 =	simm.s32 $0x2A00  }
0xb9: {  	[tilespmem:s14], [sflag:$0x1] =	stream.indirect_vreg.gather [hbm4b:s5+s3], $0x80, v3, vm0, $0xb8;
	[tilespmem:$0x18200] =	vst v63  }
0xba: {  	s15 =	simm.s32 $0x3200  }
0xbb: {  	[tilespmem:s15], [sflag:$0x1] =	stream.indirect_vreg.gather [hbm4b:s6+s3], $0x80, v3, vm0, $0xb8;
	[tilespmem:$0x18200] =	vst v63  }
0xbc: {  	s16 =	simm.s32 $0x3A00  }
0xbd: {  	[tilespmem:s16], [sflag:$0x1] =	stream.indirect_vreg.gather [hbm4b:s7+s3], $0x80, v3, vm0, $0xb8;
	[tilespmem:$0x18200] =	vst v63  }
0xbe: {  	v3 =	vld [tilespmem:$0x70];
	_ =	sdelay $0x4  }
0xbf: {  	v39 =	vshll.u32 v3, $0x3  }
0xc0: {  	v3 =	vand.u32 $0x7, v3;
	v4 =	vand.u32 $0xFFFFFFC0, v39  }
0xc1: {  	v3 =	vor.u32 v3, v4  }
0xc2: {  	v4 =	vperm.xlane v3, v0;
	_ =	sdelay $0x1  }
0xc3: {  	v4 =	vadd.s32 v1, v4;
	_ =	sdelay $0x3  }
0xc4: {  	s17 =	simm.s32 $0x4200  }
0xc5: {  	[tilespmem:s17], [sflag:$0x1] =	stream.indirect_vreg.gather [hbm4b:s2+s3], $0x80, v4, vm0, $0xb8;
	[tilespmem:$0x18200] =	vst v63  }
0xc6: {  	s18 =	simm.s32 $0x4A00;
	v3 =	vperm.xlane v3, v2  }
0xc7: {  	[tilespmem:s18], [sflag:$0x1] =	stream.indirect_vreg.gather [hbm4b:s5+s3], $0x80, v4, vm0, $0xb8;
	[tilespmem:$0x18200] =	vst v63  }
0xc8: {  	s16 =	simm.s32 $0x5200;
	v3 =	vadd.s32 v1, v3  }
0xc9: {  	[tilespmem:s16], [sflag:$0x1] =	stream.indirect_vreg.gather [hbm4b:s6+s3], $0x80, v4, vm0, $0xb8;
	[tilespmem:$0x18200] =	vst v63  }
0xca: {  	s17 =	simm.s32 $0x5A00  }
0xcb: {  	[tilespmem:s17], [sflag:$0x1] =	stream.indirect_vreg.gather [hbm4b:s7+s3], $0x80, v4, vm0, $0xb8;
	[tilespmem:$0x18200] =	vst v63  }
0xcc: {  	s18 =	simm.s32 $0x6200  }
0xcd: {  	[tilespmem:s18], [sflag:$0x1] =	stream.indirect_vreg.gather [hbm4b:s2+s3], $0x80, v3, vm0, $0xb8;
	[tilespmem:$0x18200] =	vst v63  }
0xce: {  	s19 =	simm.s32 $0x6A00  }
0xcf: {  	[tilespmem:s19], [sflag:$0x1] =	stream.indirect_vreg.gather [hbm4b:s5+s3], $0x80, v3, vm0, $0xb8;
	[tilespmem:$0x18200] =	vst v63  }
0xd0: {  	s20 =	simm.s32 $0x7200  }
0xd1: {  	[tilespmem:s20], [sflag:$0x1] =	stream.indirect_vreg.gather [hbm4b:s6+s3], $0x80, v3, vm0, $0xb8;
	[tilespmem:$0x18200] =	vst v63  }
0xd2: {  	s22 =	simm.s32 $0x7A00  }
0xd3: {  	[tilespmem:s22], [sflag:$0x1] =	stream.indirect_vreg.gather [hbm4b:s7+s3], $0x80, v3, vm0, $0xb8;
	[tilespmem:$0x18200] =	vst v63  }
0xd4: {  	_ =	swait.ge [sflag:s10], $0x8000  }
0xd5: {  	[sflag:s10] =	ssyncset.done $0x0  }
0xd6: {  	s8 =	simm.s32 $0x8200;
	s22 =	rddreg [dreg:$0x5];
	[sflag:s10] =	ssyncadd.s32 $0xFFFF8000  }
0xd7: {  	[hbm4b:s22+s3] =	stream.linear.scatter [tilespmem:s8], [sflag:$0x5], $0x8000, $0x38;
	[tilespmem:$0x18200] =	vst v63  }
0xd8: {  	_ =	swait.ge [sflag:s1], $0x8000  }
0xd9: {  	[sflag:s1] =	ssyncset.done $0x0  }
0xda: {  	[sflag:s1] =	ssyncadd.s32 $0xFFFF8000  }
0xdb: {  	v3 =	vld [tilespmem:$0x80];
	_ =	sdelay $0x4  }
0xdc: {  	v40 =	vshll.u32 v3, $0x3  }
0xdd: {  	v3 =	vand.u32 $0x7, v3;
	v4 =	vand.u32 $0xFFFFFFC0, v40  }
0xde: {  	v3 =	vor.u32 v3, v4  }
0xdf: {  	v4 =	vperm.xlane v3, v0;
	_ =	sdelay $0x1  }
0xe0: {  	v4 =	vadd.s32 v1, v4;
	_ =	sdelay $0x4  }
0xe1: {  	[tilespmem:s8], [sflag:$0x2] =	stream.indirect_vreg.gather [hbm4b:s2+s3], $0x80, v4, vm0, $0xb8;
	[tilespmem:$0x18200] =	vst v63  }
0xe2: {  	s21 =	simm.s32 $0x8A00;
	v3 =	vperm.xlane v3, v2  }
0xe3: {  	[tilespmem:s21], [sflag:$0x2] =	stream.indirect_vreg.gather [hbm4b:s5+s3], $0x80, v4, vm0, $0xb8;
	[tilespmem:$0x18200] =	vst v63  }
0xe4: {  	v3 =	vadd.s32 v1, v3;
	s8 =	simm.s32 $0x9200  }
0xe5: {  	[tilespmem:s8], [sflag:$0x2] =	stream.indirect_vreg.gather [hbm4b:s6+s3], $0x80, v4, vm0, $0xb8;
	[tilespmem:$0x18200] =	vst v63  }
0xe6: {  	s22 =	simm.s32 $0x9A00  }
0xe7: {  	[tilespmem:s22], [sflag:$0x2] =	stream.indirect_vreg.gather [hbm4b:s7+s3], $0x80, v4, vm0, $0xb8;
	[tilespmem:$0x18200] =	vst v63  }
0xe8: {  	s28 =	simm.s32 $0xA200  }
0xe9: {  	[tilespmem:s28], [sflag:$0x2] =	stream.indirect_vreg.gather [hbm4b:s2+s3], $0x80, v3, vm0, $0xb8;
	[tilespmem:$0x18200] =	vst v63  }
0xea: {  	s21 =	simm.s32 $0xAA00  }
0xeb: {  	[tilespmem:s21], [sflag:$0x2] =	stream.indirect_vreg.gather [hbm4b:s5+s3], $0x80, v3, vm0, $0xb8;
	[tilespmem:$0x18200] =	vst v63  }
0xec: {  	s22 =	simm.s32 $0xB200  }
0xed: {  	[tilespmem:s22], [sflag:$0x2] =	stream.indirect_vreg.gather [hbm4b:s6+s3], $0x80, v3, vm0, $0xb8;
	[tilespmem:$0x18200] =	vst v63  }
0xee: {  	s23 =	simm.s32 $0xBA00  }
0xef: {  	[tilespmem:s23], [sflag:$0x2] =	stream.indirect_vreg.gather [hbm4b:s7+s3], $0x80, v3, vm0, $0xb8;
	[tilespmem:$0x18200] =	vst v63  }
0xf0: {  	v3 =	vld [tilespmem:$0x90];
	_ =	sdelay $0x4  }
0xf1: {  	v41 =	vshll.u32 v3, $0x3  }
0xf2: {  	v3 =	vand.u32 $0x7, v3;
	v4 =	vand.u32 $0xFFFFFFC0, v41  }
0xf3: {  	v3 =	vor.u32 v3, v4  }
0xf4: {  	v4 =	vperm.xlane v3, v0;
	_ =	sdelay $0x1  }
0xf5: {  	v4 =	vadd.s32 v1, v4;
	_ =	sdelay $0x3  }
0xf6: {  	s24 =	simm.s32 $0xC200  }
0xf7: {  	[tilespmem:s24], [sflag:$0x2] =	stream.indirect_vreg.gather [hbm4b:s2+s3], $0x80, v4, vm0, $0xb8;
	[tilespmem:$0x18200] =	vst v63  }
0xf8: {  	s25 =	simm.s32 $0xCA00;
	v3 =	vperm.xlane v3, v2  }
0xf9: {  	[tilespmem:s25], [sflag:$0x2] =	stream.indirect_vreg.gather [hbm4b:s5+s3], $0x80, v4, vm0, $0xb8;
	[tilespmem:$0x18200] =	vst v63  }
0xfa: {  	s28 =	simm.s32 $0xD200;
	v3 =	vadd.s32 v1, v3  }
0xfb: {  	[tilespmem:s28], [sflag:$0x2] =	stream.indirect_vreg.gather [hbm4b:s6+s3], $0x80, v4, vm0, $0xb8;
	[tilespmem:$0x18200] =	vst v63  }
0xfc: {  	s21 =	simm.s32 $0xDA00  }
0xfd: {  	[tilespmem:s21], [sflag:$0x2] =	stream.indirect_vreg.gather [hbm4b:s7+s3], $0x80, v4, vm0, $0xb8;
	[tilespmem:$0x18200] =	vst v63  }
0xfe: {  	s22 =	simm.s32 $0xE200  }
0xff: {  	[tilespmem:s22], [sflag:$0x2] =	stream.indirect_vreg.gather [hbm4b:s2+s3], $0x80, v3, vm0, $0xb8;
	[tilespmem:$0x18200] =	vst v63  }
0x100: {  	s23 =	simm.s32 $0xEA00  }
0x101: {  	[tilespmem:s23], [sflag:$0x2] =	stream.indirect_vreg.gather [hbm4b:s5+s3], $0x80, v3, vm0, $0xb8;
	[tilespmem:$0x18200] =	vst v63  }
0x102: {  	s24 =	simm.s32 $0xF200  }
0x103: {  	[tilespmem:s24], [sflag:$0x2] =	stream.indirect_vreg.gather [hbm4b:s6+s3], $0x80, v3, vm0, $0xb8;
	[tilespmem:$0x18200] =	vst v63  }
0x104: {  	s31 =	simm.s32 $0xFA00  }
0x105: {  	[tilespmem:s31], [sflag:$0x2] =	stream.indirect_vreg.gather [hbm4b:s7+s3], $0x80, v3, vm0, $0xb8;
	[tilespmem:$0x18200] =	vst v63  }
0x106: {  	_ =	swait.ge [sflag:s0], $0x8000  }
0x107: {  	[sflag:s0] =	ssyncset.done $0x0  }
0x108: {  	s11 =	simm.s32 $0x10200;
	s25 =	rddreg [dreg:$0x6];
	[sflag:s0] =	ssyncadd.s32 $0xFFFF8000  }
0x109: {  	[hbm4b:s25+s3] =	stream.linear.scatter [tilespmem:s11], [sflag:$0x6], $0x8000, $0x38;
	[tilespmem:$0x18200] =	vst v63  }
0x10a: {  	_ =	swait.ge [sflag:s4], $0x8000  }
0x10b: {  	[sflag:s4] =	ssyncset.done $0x0  }
0x10c: {  	[sflag:s4] =	ssyncadd.s32 $0xFFFF8000  }
0x10d: {  	v3 =	vld [tilespmem:$0xA0];
	_ =	sdelay $0x4  }
0x10e: {  	v42 =	vshll.u32 v3, $0x3  }
0x10f: {  	v3 =	vand.u32 $0x7, v3;
	v4 =	vand.u32 $0xFFFFFFC0, v42  }
0x110: {  	v3 =	vor.u32 v3, v4  }
0x111: {  	v4 =	vperm.xlane v3, v0;
	_ =	sdelay $0x1  }
0x112: {  	v4 =	vadd.s32 v1, v4;
	_ =	sdelay $0x4  }
0x113: {  	[tilespmem:s11], [sflag:$0x3] =	stream.indirect_vreg.gather [hbm4b:s2+s3], $0x80, v4, vm0, $0xb8;
	[tilespmem:$0x18200] =	vst v63  }
0x114: {  	s31 =	simm.s32 $0x10A00;
	v3 =	vperm.xlane v3, v2  }
0x115: {  	[tilespmem:s31], [sflag:$0x3] =	stream.indirect_vreg.gather [hbm4b:s5+s3], $0x80, v4, vm0, $0xb8;
	[tilespmem:$0x18200] =	vst v63  }
0x116: {  	s22 =	simm.s32 $0x11200;
	v3 =	vadd.s32 v1, v3  }
0x117: {  	[tilespmem:s22], [sflag:$0x3] =	stream.indirect_vreg.gather [hbm4b:s6+s3], $0x80, v4, vm0, $0xb8;
	[tilespmem:$0x18200] =	vst v63  }
0x118: {  	s23 =	simm.s32 $0x11A00  }
0x119: {  	[tilespmem:s23], [sflag:$0x3] =	stream.indirect_vreg.gather [hbm4b:s7+s3], $0x80, v4, vm0, $0xb8;
	[tilespmem:$0x18200] =	vst v63  }
0x11a: {  	s24 =	simm.s32 $0x12200  }
0x11b: {  	[tilespmem:s24], [sflag:$0x3] =	stream.indirect_vreg.gather [hbm4b:s2+s3], $0x80, v3, vm0, $0xb8;
	[tilespmem:$0x18200] =	vst v63  }
0x11c: {  	s25 =	simm.s32 $0x12A00  }
0x11d: {  	[tilespmem:s25], [sflag:$0x3] =	stream.indirect_vreg.gather [hbm4b:s5+s3], $0x80, v3, vm0, $0xb8;
	[tilespmem:$0x18200] =	vst v63  }
0x11e: {  	s21 =	simm.s32 $0x13200  }
0x11f: {  	[tilespmem:s21], [sflag:$0x3] =	stream.indirect_vreg.gather [hbm4b:s6+s3], $0x80, v3, vm0, $0xb8;
	[tilespmem:$0x18200] =	vst v63  }
0x120: {  	s11 =	simm.s32 $0x13A00  }
0x121: {  	[tilespmem:s11], [sflag:$0x3] =	stream.indirect_vreg.gather [hbm4b:s7+s3], $0x80, v3, vm0, $0xb8;
	[tilespmem:$0x18200] =	vst v63  }
0x122: {  	v3 =	vld [tilespmem:$0xB0];
	_ =	sdelay $0x4  }
0x123: {  	v43 =	vshll.u32 v3, $0x3  }
0x124: {  	v3 =	vand.u32 $0x7, v3;
	v4 =	vand.u32 $0xFFFFFFC0, v43  }
0x125: {  	v3 =	vor.u32 v3, v4  }
0x126: {  	v4 =	vperm.xlane v3, v0;
	_ =	sdelay $0x1  }
0x127: {  	v4 =	vadd.s32 v1, v4;
	_ =	sdelay $0x3  }
0x128: {  	s28 =	simm.s32 $0x14200  }
0x129: {  	[tilespmem:s28], [sflag:$0x3] =	stream.indirect_vreg.gather [hbm4b:s2+s3], $0x80, v4, vm0, $0xb8;
	[tilespmem:$0x18200] =	vst v63  }
0x12a: {  	s31 =	simm.s32 $0x14A00;
	v3 =	vperm.xlane v3, v2  }
0x12b: {  	[tilespmem:s31], [sflag:$0x3] =	stream.indirect_vreg.gather [hbm4b:s5+s3], $0x80, v4, vm0, $0xb8;
	[tilespmem:$0x18200] =	vst v63  }
0x12c: {  	s11 =	simm.s32 $0x15200;
	v3 =	vadd.s32 v1, v3  }
0x12d: {  	[tilespmem:s11], [sflag:$0x3] =	stream.indirect_vreg.gather [hbm4b:s6+s3], $0x80, v4, vm0, $0xb8;
	[tilespmem:$0x18200] =	vst v63  }
0x12e: {  	s11 =	simm.s32 $0x15A00  }
0x12f: {  	[tilespmem:s11], [sflag:$0x3] =	stream.indirect_vreg.gather [hbm4b:s7+s3], $0x80, v4, vm0, $0xb8;
	[tilespmem:$0x18200] =	vst v63  }
0x130: {  	s28 =	simm.s32 $0x16200  }
0x131: {  	[tilespmem:s28], [sflag:$0x3] =	stream.indirect_vreg.gather [hbm4b:s2+s3], $0x80, v3, vm0, $0xb8;
	[tilespmem:$0x18200] =	vst v63  }
0x132: {  	s31 =	simm.s32 $0x16A00  }
0x133: {  	[tilespmem:s31], [sflag:$0x3] =	stream.indirect_vreg.gather [hbm4b:s5+s3], $0x80, v3, vm0, $0xb8;
	[tilespmem:$0x18200] =	vst v63  }
0x134: {  	s28 =	simm.s32 $0x17200  }
0x135: {  	[tilespmem:s28], [sflag:$0x3] =	stream.indirect_vreg.gather [hbm4b:s6+s3], $0x80, v3, vm0, $0xb8;
	[tilespmem:$0x18200] =	vst v63  }
0x136: {  	s31 =	simm.s32 $0x17A00  }
0x137: {  	[tilespmem:s31], [sflag:$0x3] =	stream.indirect_vreg.gather [hbm4b:s7+s3], $0x80, v3, vm0, $0xb8;
	[tilespmem:$0x18200] =	vst v63  }
0x138: {  	_ =	swait.ge [sflag:s29], $0x8000  }
0x139: {  	[sflag:s29] =	ssyncset.done $0x0  }
0x13a: {  	s9 =	simm.s32 $0x200;
	s28 =	rddreg [dreg:$0x7];
	[sflag:s29] =	ssyncadd.s32 $0xFFFF8000  }
0x13b: {  	[hbm4b:s28+s3] =	stream.linear.scatter [tilespmem:s9], [sflag:$0x4], $0x8000, $0x38;
	[tilespmem:$0x18200] =	vst v63  }
0x13c: {  	_ =	swait.ge [sflag:s30], $0x8000  }
0x13d: {  	[sflag:s30] =	ssyncset.done $0x0  }
0x13e: {  	[sflag:s30] =	ssyncadd.s32 $0xFFFF8000  }
0x13f: {  	v3 =	vld [tilespmem:$0xC0];
	_ =	sdelay $0x4  }
0x140: {  	v44 =	vshll.u32 v3, $0x3  }
0x141: {  	v3 =	vand.u32 $0x7, v3;
	v4 =	vand.u32 $0xFFFFFFC0, v44  }
0x142: {  	v3 =	vor.u32 v3, v4  }
0x143: {  	v4 =	vperm.xlane v3, v0;
	_ =	sdelay $0x1  }
0x144: {  	v4 =	vadd.s32 v1, v4;
	_ =	sdelay $0x4  }
0x145: {  	[tilespmem:s9], [sflag:$0x1] =	stream.indirect_vreg.gather [hbm4b:s2+s3], $0x80, v4, vm0, $0xb8;
	[tilespmem:$0x18200] =	vst v63  }
0x146: {  	s31 =	simm.s32 $0xA00;
	v3 =	vperm.xlane v3, v2  }
0x147: {  	[tilespmem:s31], [sflag:$0x1] =	stream.indirect_vreg.gather [hbm4b:s5+s3], $0x80, v4, vm0, $0xb8;
	[tilespmem:$0x18200] =	vst v63  }
0x148: {  	v3 =	vadd.s32 v1, v3  }
0x149: {  	[tilespmem:s26], [sflag:$0x1] =	stream.indirect_vreg.gather [hbm4b:s6+s3], $0x80, v4, vm0, $0xb8;
	[tilespmem:$0x18200] =	vst v63  }
0x14a: {  	_ = 	snop  }
0x14b: {  	[tilespmem:s12], [sflag:$0x1] =	stream.indirect_vreg.gather [hbm4b:s7+s3], $0x80, v4, vm0, $0xb8;
	[tilespmem:$0x18200] =	vst v63  }
0x14c: {  	_ = 	snop  }
0x14d: {  	[tilespmem:s13], [sflag:$0x1] =	stream.indirect_vreg.gather [hbm4b:s2+s3], $0x80, v3, vm0, $0xb8;
	[tilespmem:$0x18200] =	vst v63  }
0x14e: {  	_ = 	snop  }
0x14f: {  	[tilespmem:s14], [sflag:$0x1] =	stream.indirect_vreg.gather [hbm4b:s5+s3], $0x80, v3, vm0, $0xb8;
	[tilespmem:$0x18200] =	vst v63  }
0x150: {  	_ = 	snop  }
0x151: {  	[tilespmem:s15], [sflag:$0x1] =	stream.indirect_vreg.gather [hbm4b:s6+s3], $0x80, v3, vm0, $0xb8;
	[tilespmem:$0x18200] =	vst v63  }
0x152: {  	s13 =	simm.s32 $0x3A00  }
0x153: {  	[tilespmem:s13], [sflag:$0x1] =	stream.indirect_vreg.gather [hbm4b:s7+s3], $0x80, v3, vm0, $0xb8;
	[tilespmem:$0x18200] =	vst v63  }
0x154: {  	v3 =	vld [tilespmem:$0xD0];
	_ =	sdelay $0x4  }
0x155: {  	v45 =	vshll.u32 v3, $0x3  }
0x156: {  	v3 =	vand.u32 $0x7, v3;
	v4 =	vand.u32 $0xFFFFFFC0, v45  }
0x157: {  	v3 =	vor.u32 v3, v4  }
0x158: {  	v4 =	vperm.xlane v3, v0;
	_ =	sdelay $0x1  }
0x159: {  	v4 =	vadd.s32 v1, v4;
	_ =	sdelay $0x3  }
0x15a: {  	s14 =	simm.s32 $0x4200  }
0x15b: {  	[tilespmem:s14], [sflag:$0x1] =	stream.indirect_vreg.gather [hbm4b:s2+s3], $0x80, v4, vm0, $0xb8;
	[tilespmem:$0x18200] =	vst v63  }
0x15c: {  	s15 =	simm.s32 $0x4A00;
	v3 =	vperm.xlane v3, v2  }
0x15d: {  	[tilespmem:s15], [sflag:$0x1] =	stream.indirect_vreg.gather [hbm4b:s5+s3], $0x80, v4, vm0, $0xb8;
	[tilespmem:$0x18200] =	vst v63  }
0x15e: {  	v3 =	vadd.s32 v1, v3  }
0x15f: {  	[tilespmem:s16], [sflag:$0x1] =	stream.indirect_vreg.gather [hbm4b:s6+s3], $0x80, v4, vm0, $0xb8;
	[tilespmem:$0x18200] =	vst v63  }
0x160: {  	_ = 	snop  }
0x161: {  	[tilespmem:s17], [sflag:$0x1] =	stream.indirect_vreg.gather [hbm4b:s7+s3], $0x80, v4, vm0, $0xb8;
	[tilespmem:$0x18200] =	vst v63  }
0x162: {  	_ = 	snop  }
0x163: {  	[tilespmem:s18], [sflag:$0x1] =	stream.indirect_vreg.gather [hbm4b:s2+s3], $0x80, v3, vm0, $0xb8;
	[tilespmem:$0x18200] =	vst v63  }
0x164: {  	_ = 	snop  }
0x165: {  	[tilespmem:s19], [sflag:$0x1] =	stream.indirect_vreg.gather [hbm4b:s5+s3], $0x80, v3, vm0, $0xb8;
	[tilespmem:$0x18200] =	vst v63  }
0x166: {  	_ = 	snop  }
0x167: {  	[tilespmem:s20], [sflag:$0x1] =	stream.indirect_vreg.gather [hbm4b:s6+s3], $0x80, v3, vm0, $0xb8;
	[tilespmem:$0x18200] =	vst v63  }
0x168: {  	s16 =	simm.s32 $0x7A00  }
0x169: {  	[tilespmem:s16], [sflag:$0x1] =	stream.indirect_vreg.gather [hbm4b:s7+s3], $0x80, v3, vm0, $0xb8;
	[tilespmem:$0x18200] =	vst v63  }
0x16a: {  	_ =	swait.ge [sflag:s10], $0x8000  }
0x16b: {  	[sflag:s10] =	ssyncset.done $0x0  }
0x16c: {  	s18 =	simm.s32 $0x8200;
	s17 =	rddreg [dreg:$0x8];
	[sflag:s10] =	ssyncadd.s32 $0xFFFF8000  }
0x16d: {  	[hbm4b:s17+s3] =	stream.linear.scatter [tilespmem:s18], [sflag:$0x5], $0x8000, $0x38;
	[tilespmem:$0x18200] =	vst v63  }
0x16e: {  	_ =	swait.ge [sflag:s1], $0x8000  }
0x16f: {  	[sflag:s1] =	ssyncset.done $0x0  }
0x170: {  	[sflag:s1] =	ssyncadd.s32 $0xFFFF8000  }
0x171: {  	v3 =	vld [tilespmem:$0xE0];
	_ =	sdelay $0x4  }
0x172: {  	v46 =	vshll.u32 v3, $0x3  }
0x173: {  	v3 =	vand.u32 $0x7, v3;
	v4 =	vand.u32 $0xFFFFFFC0, v46  }
0x174: {  	v3 =	vor.u32 v3, v4  }
0x175: {  	v4 =	vperm.xlane v3, v0;
	_ =	sdelay $0x1  }
0x176: {  	v4 =	vadd.s32 v1, v4;
	_ =	sdelay $0x4  }
0x177: {  	[tilespmem:s18], [sflag:$0x2] =	stream.indirect_vreg.gather [hbm4b:s2+s3], $0x80, v4, vm0, $0xb8;
	[tilespmem:$0x18200] =	vst v63  }
0x178: {  	s31 =	simm.s32 $0x8A00;
	v3 =	vperm.xlane v3, v2  }
0x179: {  	[tilespmem:s31], [sflag:$0x2] =	stream.indirect_vreg.gather [hbm4b:s5+s3], $0x80, v4, vm0, $0xb8;
	[tilespmem:$0x18200] =	vst v63  }
0x17a: {  	v3 =	vadd.s32 v1, v3  }
0x17b: {  	[tilespmem:s8], [sflag:$0x2] =	stream.indirect_vreg.gather [hbm4b:s6+s3], $0x80, v4, vm0, $0xb8;
	[tilespmem:$0x18200] =	vst v63  }
0x17c: {  	s13 =	simm.s32 $0x9A00  }
0x17d: {  	[tilespmem:s13], [sflag:$0x2] =	stream.indirect_vreg.gather [hbm4b:s7+s3], $0x80, v4, vm0, $0xb8;
	[tilespmem:$0x18200] =	vst v63  }
0x17e: {  	s19 =	simm.s32 $0xA200  }
0x17f: {  	[tilespmem:s19], [sflag:$0x2] =	stream.indirect_vreg.gather [hbm4b:s2+s3], $0x80, v3, vm0, $0xb8;
	[tilespmem:$0x18200] =	vst v63  }
0x180: {  	s20 =	simm.s32 $0xAA00  }
0x181: {  	[tilespmem:s20], [sflag:$0x2] =	stream.indirect_vreg.gather [hbm4b:s5+s3], $0x80, v3, vm0, $0xb8;
	[tilespmem:$0x18200] =	vst v63  }
0x182: {  	s16 =	simm.s32 $0xB200  }
0x183: {  	[tilespmem:s16], [sflag:$0x2] =	stream.indirect_vreg.gather [hbm4b:s6+s3], $0x80, v3, vm0, $0xb8;
	[tilespmem:$0x18200] =	vst v63  }
0x184: {  	s26 =	simm.s32 $0xBA00  }
0x185: {  	[tilespmem:s26], [sflag:$0x2] =	stream.indirect_vreg.gather [hbm4b:s7+s3], $0x80, v3, vm0, $0xb8;
	[tilespmem:$0x18200] =	vst v63  }
0x186: {  	v3 =	vld [tilespmem:$0xF0];
	_ =	sdelay $0x4  }
0x187: {  	v47 =	vshll.u32 v3, $0x3  }
0x188: {  	v3 =	vand.u32 $0x7, v3;
	v4 =	vand.u32 $0xFFFFFFC0, v47  }
0x189: {  	v3 =	vor.u32 v3, v4  }
0x18a: {  	v4 =	vperm.xlane v3, v0;
	_ =	sdelay $0x1  }
0x18b: {  	v4 =	vadd.s32 v1, v4;
	_ =	sdelay $0x3  }
0x18c: {  	s28 =	simm.s32 $0xC200  }
0x18d: {  	[tilespmem:s28], [sflag:$0x2] =	stream.indirect_vreg.gather [hbm4b:s2+s3], $0x80, v4, vm0, $0xb8;
	[tilespmem:$0x18200] =	vst v63  }
0x18e: {  	s12 =	simm.s32 $0xCA00;
	v3 =	vperm.xlane v3, v2  }
0x18f: {  	[tilespmem:s12], [sflag:$0x2] =	stream.indirect_vreg.gather [hbm4b:s5+s3], $0x80, v4, vm0, $0xb8;
	[tilespmem:$0x18200] =	vst v63  }
0x190: {  	s17 =	simm.s32 $0xD200;
	v3 =	vadd.s32 v1, v3  }
0x191: {  	[tilespmem:s17], [sflag:$0x2] =	stream.indirect_vreg.gather [hbm4b:s6+s3], $0x80, v4, vm0, $0xb8;
	[tilespmem:$0x18200] =	vst v63  }
0x192: {  	s18 =	simm.s32 $0xDA00  }
0x193: {  	[tilespmem:s18], [sflag:$0x2] =	stream.indirect_vreg.gather [hbm4b:s7+s3], $0x80, v4, vm0, $0xb8;
	[tilespmem:$0x18200] =	vst v63  }
0x194: {  	s19 =	simm.s32 $0xE200  }
0x195: {  	[tilespmem:s19], [sflag:$0x2] =	stream.indirect_vreg.gather [hbm4b:s2+s3], $0x80, v3, vm0, $0xb8;
	[tilespmem:$0x18200] =	vst v63  }
0x196: {  	s20 =	simm.s32 $0xEA00  }
0x197: {  	[tilespmem:s20], [sflag:$0x2] =	stream.indirect_vreg.gather [hbm4b:s5+s3], $0x80, v3, vm0, $0xb8;
	[tilespmem:$0x18200] =	vst v63  }
0x198: {  	s26 =	simm.s32 $0xF200  }
0x199: {  	[tilespmem:s26], [sflag:$0x2] =	stream.indirect_vreg.gather [hbm4b:s6+s3], $0x80, v3, vm0, $0xb8;
	[tilespmem:$0x18200] =	vst v63  }
0x19a: {  	s14 =	simm.s32 $0xFA00  }
0x19b: {  	[tilespmem:s14], [sflag:$0x2] =	stream.indirect_vreg.gather [hbm4b:s7+s3], $0x80, v3, vm0, $0xb8;
	[tilespmem:$0x18200] =	vst v63  }
0x19c: {  	_ =	swait.ge [sflag:s0], $0x8000  }
0x19d: {  	[sflag:s0] =	ssyncset.done $0x0  }
0x19e: {  	s8 =	simm.s32 $0x10200;
	s15 =	rddreg [dreg:$0x9];
	[sflag:s0] =	ssyncadd.s32 $0xFFFF8000  }
0x19f: {  	[hbm4b:s15+s3] =	stream.linear.scatter [tilespmem:s8], [sflag:$0x6], $0x8000, $0x38;
	[tilespmem:$0x18200] =	vst v63  }
0x1a0: {  	_ =	swait.ge [sflag:s4], $0x8000  }
0x1a1: {  	[sflag:s4] =	ssyncset.done $0x0  }
0x1a2: {  	[sflag:s4] =	ssyncadd.s32 $0xFFFF8000  }
0x1a3: {  	v3 =	vld [tilespmem:$0x100];
	_ =	sdelay $0x4  }
0x1a4: {  	v48 =	vshll.u32 v3, $0x3  }
0x1a5: {  	v3 =	vand.u32 $0x7, v3;
	v4 =	vand.u32 $0xFFFFFFC0, v48  }
0x1a6: {  	v3 =	vor.u32 v3, v4  }
0x1a7: {  	v4 =	vperm.xlane v3, v0;
	_ =	sdelay $0x1  }
0x1a8: {  	v4 =	vadd.s32 v1, v4;
	_ =	sdelay $0x4  }
0x1a9: {  	[tilespmem:s8], [sflag:$0x3] =	stream.indirect_vreg.gather [hbm4b:s2+s3], $0x80, v4, vm0, $0xb8;
	[tilespmem:$0x18200] =	vst v63  }
0x1aa: {  	s12 =	simm.s32 $0x10A00;
	v3 =	vperm.xlane v3, v2  }
0x1ab: {  	[tilespmem:s12], [sflag:$0x3] =	stream.indirect_vreg.gather [hbm4b:s5+s3], $0x80, v4, vm0, $0xb8;
	[tilespmem:$0x18200] =	vst v63  }
0x1ac: {  	v3 =	vadd.s32 v1, v3  }
0x1ad: {  	[tilespmem:s22], [sflag:$0x3] =	stream.indirect_vreg.gather [hbm4b:s6+s3], $0x80, v4, vm0, $0xb8;
	[tilespmem:$0x18200] =	vst v63  }
0x1ae: {  	_ = 	snop  }
0x1af: {  	[tilespmem:s23], [sflag:$0x3] =	stream.indirect_vreg.gather [hbm4b:s7+s3], $0x80, v4, vm0, $0xb8;
	[tilespmem:$0x18200] =	vst v63  }
0x1b0: {  	_ = 	snop  }
0x1b1: {  	[tilespmem:s24], [sflag:$0x3] =	stream.indirect_vreg.gather [hbm4b:s2+s3], $0x80, v3, vm0, $0xb8;
	[tilespmem:$0x18200] =	vst v63  }
0x1b2: {  	_ = 	snop  }
0x1b3: {  	[tilespmem:s25], [sflag:$0x3] =	stream.indirect_vreg.gather [hbm4b:s5+s3], $0x80, v3, vm0, $0xb8;
	[tilespmem:$0x18200] =	vst v63  }
0x1b4: {  	_ = 	snop  }
0x1b5: {  	[tilespmem:s21], [sflag:$0x3] =	stream.indirect_vreg.gather [hbm4b:s6+s3], $0x80, v3, vm0, $0xb8;
	[tilespmem:$0x18200] =	vst v63  }
0x1b6: {  	s12 =	simm.s32 $0x13A00  }
0x1b7: {  	[tilespmem:s12], [sflag:$0x3] =	stream.indirect_vreg.gather [hbm4b:s7+s3], $0x80, v3, vm0, $0xb8;
	[tilespmem:$0x18200] =	vst v63  }
0x1b8: {  	v3 =	vld [tilespmem:$0x110];
	_ =	sdelay $0x4  }
0x1b9: {  	v49 =	vshll.u32 v3, $0x3  }
0x1ba: {  	v3 =	vand.u32 $0x7, v3;
	v4 =	vand.u32 $0xFFFFFFC0, v49  }
0x1bb: {  	v3 =	vor.u32 v3, v4  }
0x1bc: {  	v4 =	vperm.xlane v3, v0;
	_ =	sdelay $0x1  }
0x1bd: {  	v4 =	vadd.s32 v1, v4;
	_ =	sdelay $0x3  }
0x1be: {  	s14 =	simm.s32 $0x14200  }
0x1bf: {  	[tilespmem:s14], [sflag:$0x3] =	stream.indirect_vreg.gather [hbm4b:s2+s3], $0x80, v4, vm0, $0xb8;
	[tilespmem:$0x18200] =	vst v63  }
0x1c0: {  	v3 =	vperm.xlane v3, v2;
	s14 =	simm.s32 $0x14A00  }
0x1c1: {  	[tilespmem:s14], [sflag:$0x3] =	stream.indirect_vreg.gather [hbm4b:s5+s3], $0x80, v4, vm0, $0xb8;
	[tilespmem:$0x18200] =	vst v63  }
0x1c2: {  	s15 =	simm.s32 $0x15200;
	v3 =	vadd.s32 v1, v3  }
0x1c3: {  	[tilespmem:s15], [sflag:$0x3] =	stream.indirect_vreg.gather [hbm4b:s6+s3], $0x80, v4, vm0, $0xb8;
	[tilespmem:$0x18200] =	vst v63  }
0x1c4: {  	_ = 	snop  }
0x1c5: {  	[tilespmem:s11], [sflag:$0x3] =	stream.indirect_vreg.gather [hbm4b:s7+s3], $0x80, v4, vm0, $0xb8;
	[tilespmem:$0x18200] =	vst v63  }
0x1c6: {  	s21 =	simm.s32 $0x16200  }
0x1c7: {  	[tilespmem:s21], [sflag:$0x3] =	stream.indirect_vreg.gather [hbm4b:s2+s3], $0x80, v3, vm0, $0xb8;
	[tilespmem:$0x18200] =	vst v63  }
0x1c8: {  	s11 =	simm.s32 $0x16A00  }
0x1c9: {  	[tilespmem:s11], [sflag:$0x3] =	stream.indirect_vreg.gather [hbm4b:s5+s3], $0x80, v3, vm0, $0xb8;
	[tilespmem:$0x18200] =	vst v63  }
0x1ca: {  	s22 =	simm.s32 $0x17200  }
0x1cb: {  	[tilespmem:s22], [sflag:$0x3] =	stream.indirect_vreg.gather [hbm4b:s6+s3], $0x80, v3, vm0, $0xb8;
	[tilespmem:$0x18200] =	vst v63  }
0x1cc: {  	s15 =	simm.s32 $0x17A00  }
0x1cd: {  	[tilespmem:s15], [sflag:$0x3] =	stream.indirect_vreg.gather [hbm4b:s7+s3], $0x80, v3, vm0, $0xb8;
	[tilespmem:$0x18200] =	vst v63  }
0x1ce: {  	_ =	swait.ge [sflag:s29], $0x8000  }
0x1cf: {  	[sflag:s29] =	ssyncset.done $0x0  }
0x1d0: {  	s24 =	simm.s32 $0x200;
	s23 =	rddreg [dreg:$0xa];
	[sflag:s29] =	ssyncadd.s32 $0xFFFF8000  }
0x1d1: {  	[hbm4b:s23+s3] =	stream.linear.scatter [tilespmem:s24], [sflag:$0x4], $0x8000, $0x38;
	[tilespmem:$0x18200] =	vst v63  }
0x1d2: {  	_ =	swait.ge [sflag:s30], $0x8000  }
0x1d3: {  	[sflag:s30] =	ssyncset.done $0x0  }
0x1d4: {  	[sflag:s30] =	ssyncadd.s32 $0xFFFF8000  }
0x1d5: {  	v3 =	vld [tilespmem:$0x120];
	_ =	sdelay $0x4  }
0x1d6: {  	v50 =	vshll.u32 v3, $0x3  }
0x1d7: {  	v3 =	vand.u32 $0x7, v3;
	v4 =	vand.u32 $0xFFFFFFC0, v50  }
0x1d8: {  	v3 =	vor.u32 v3, v4  }
0x1d9: {  	v4 =	vperm.xlane v3, v0;
	_ =	sdelay $0x1  }
0x1da: {  	v4 =	vadd.s32 v1, v4;
	_ =	sdelay $0x4  }
0x1db: {  	[tilespmem:s24], [sflag:$0x1] =	stream.indirect_vreg.gather [hbm4b:s2+s3], $0x80, v4, vm0, $0xb8;
	[tilespmem:$0x18200] =	vst v63  }
0x1dc: {  	s25 =	simm.s32 $0xA00;
	v3 =	vperm.xlane v3, v2  }
0x1dd: {  	[tilespmem:s25], [sflag:$0x1] =	stream.indirect_vreg.gather [hbm4b:s5+s3], $0x80, v4, vm0, $0xb8;
	[tilespmem:$0x18200] =	vst v63  }
0x1de: {  	s21 =	simm.s32 $0x1200;
	v3 =	vadd.s32 v1, v3  }
0x1df: {  	[tilespmem:s21], [sflag:$0x1] =	stream.indirect_vreg.gather [hbm4b:s6+s3], $0x80, v4, vm0, $0xb8;
	[tilespmem:$0x18200] =	vst v63  }
0x1e0: {  	s22 =	simm.s32 $0x1A00  }
0x1e1: {  	[tilespmem:s22], [sflag:$0x1] =	stream.indirect_vreg.gather [hbm4b:s7+s3], $0x80, v4, vm0, $0xb8;
	[tilespmem:$0x18200] =	vst v63  }
0x1e2: {  	s23 =	simm.s32 $0x2200  }
0x1e3: {  	[tilespmem:s23], [sflag:$0x1] =	stream.indirect_vreg.gather [hbm4b:s2+s3], $0x80, v3, vm0, $0xb8;
	[tilespmem:$0x18200] =	vst v63  }
0x1e4: {  	s24 =	simm.s32 $0x2A00  }
0x1e5: {  	[tilespmem:s24], [sflag:$0x1] =	stream.indirect_vreg.gather [hbm4b:s5+s3], $0x80, v3, vm0, $0xb8;
	[tilespmem:$0x18200] =	vst v63  }
0x1e6: {  	s25 =	simm.s32 $0x3200  }
0x1e7: {  	[tilespmem:s25], [sflag:$0x1] =	stream.indirect_vreg.gather [hbm4b:s6+s3], $0x80, v3, vm0, $0xb8;
	[tilespmem:$0x18200] =	vst v63  }
0x1e8: {  	s28 =	simm.s32 $0x3A00  }
0x1e9: {  	[tilespmem:s28], [sflag:$0x1] =	stream.indirect_vreg.gather [hbm4b:s7+s3], $0x80, v3, vm0, $0xb8;
	[tilespmem:$0x18200] =	vst v63  }
0x1ea: {  	v3 =	vld [tilespmem:$0x130];
	_ =	sdelay $0x4  }
0x1eb: {  	v51 =	vshll.u32 v3, $0x3  }
0x1ec: {  	v3 =	vand.u32 $0x7, v3;
	v4 =	vand.u32 $0xFFFFFFC0, v51  }
0x1ed: {  	v3 =	vor.u32 v3, v4  }
0x1ee: {  	v4 =	vperm.xlane v3, v0;
	_ =	sdelay $0x1  }
0x1ef: {  	v4 =	vadd.s32 v1, v4;
	_ =	sdelay $0x3  }
0x1f0: {  	s28 =	simm.s32 $0x4200  }
0x1f1: {  	[tilespmem:s28], [sflag:$0x1] =	stream.indirect_vreg.gather [hbm4b:s2+s3], $0x80, v4, vm0, $0xb8;
	[tilespmem:$0x18200] =	vst v63  }
0x1f2: {  	v3 =	vperm.xlane v3, v2;
	s28 =	simm.s32 $0x4A00  }
0x1f3: {  	[tilespmem:s28], [sflag:$0x1] =	stream.indirect_vreg.gather [hbm4b:s5+s3], $0x80, v4, vm0, $0xb8;
	[tilespmem:$0x18200] =	vst v63  }
0x1f4: {  	v3 =	vadd.s32 v1, v3;
	s28 =	simm.s32 $0x5200  }
0x1f5: {  	[tilespmem:s28], [sflag:$0x1] =	stream.indirect_vreg.gather [hbm4b:s6+s3], $0x80, v4, vm0, $0xb8;
	[tilespmem:$0x18200] =	vst v63  }
0x1f6: {  	s28 =	simm.s32 $0x5A00  }
0x1f7: {  	[tilespmem:s28], [sflag:$0x1] =	stream.indirect_vreg.gather [hbm4b:s7+s3], $0x80, v4, vm0, $0xb8;
	[tilespmem:$0x18200] =	vst v63  }
0x1f8: {  	s28 =	simm.s32 $0x6200  }
0x1f9: {  	[tilespmem:s28], [sflag:$0x1] =	stream.indirect_vreg.gather [hbm4b:s2+s3], $0x80, v3, vm0, $0xb8;
	[tilespmem:$0x18200] =	vst v63  }
0x1fa: {  	s28 =	simm.s32 $0x6A00  }
0x1fb: {  	[tilespmem:s28], [sflag:$0x1] =	stream.indirect_vreg.gather [hbm4b:s5+s3], $0x80, v3, vm0, $0xb8;
	[tilespmem:$0x18200] =	vst v63  }
0x1fc: {  	s28 =	simm.s32 $0x7200  }
0x1fd: {  	[tilespmem:s28], [sflag:$0x1] =	stream.indirect_vreg.gather [hbm4b:s6+s3], $0x80, v3, vm0, $0xb8;
	[tilespmem:$0x18200] =	vst v63  }
0x1fe: {  	s28 =	simm.s32 $0x7A00  }
0x1ff: {  	[tilespmem:s28], [sflag:$0x1] =	stream.indirect_vreg.gather [hbm4b:s7+s3], $0x80, v3, vm0, $0xb8;
	[tilespmem:$0x18200] =	vst v63  }
0x200: {  	_ =	swait.ge [sflag:s10], $0x8000  }
0x201: {  	[sflag:s10] =	ssyncset.done $0x0  }
0x202: {  	s9 =	simm.s32 $0x8200;
	s28 =	rddreg [dreg:$0xb];
	[sflag:s10] =	ssyncadd.s32 $0xFFFF8000  }
0x203: {  	[hbm4b:s28+s3] =	stream.linear.scatter [tilespmem:s9], [sflag:$0x5], $0x8000, $0x38;
	[tilespmem:$0x18200] =	vst v63  }
0x204: {  	_ =	swait.ge [sflag:s1], $0x8000  }
0x205: {  	[sflag:s1] =	ssyncset.done $0x0  }
0x206: {  	[sflag:s1] =	ssyncadd.s32 $0xFFFF8000  }
0x207: {  	v3 =	vld [tilespmem:$0x140];
	_ =	sdelay $0x4  }
0x208: {  	v52 =	vshll.u32 v3, $0x3  }
0x209: {  	v3 =	vand.u32 $0x7, v3;
	v4 =	vand.u32 $0xFFFFFFC0, v52  }
0x20a: {  	v3 =	vor.u32 v3, v4  }
0x20b: {  	v4 =	vperm.xlane v3, v0;
	_ =	sdelay $0x1  }
0x20c: {  	v4 =	vadd.s32 v1, v4;
	_ =	sdelay $0x4  }
0x20d: {  	[tilespmem:s9], [sflag:$0x2] =	stream.indirect_vreg.gather [hbm4b:s2+s3], $0x80, v4, vm0, $0xb8;
	[tilespmem:$0x18200] =	vst v63  }
0x20e: {  	v3 =	vperm.xlane v3, v2  }
0x20f: {  	[tilespmem:s31], [sflag:$0x2] =	stream.indirect_vreg.gather [hbm4b:s5+s3], $0x80, v4, vm0, $0xb8;
	[tilespmem:$0x18200] =	vst v63  }
0x210: {  	s28 =	simm.s32 $0x9200;
	v3 =	vadd.s32 v1, v3  }
0x211: {  	[tilespmem:s28], [sflag:$0x2] =	stream.indirect_vreg.gather [hbm4b:s6+s3], $0x80, v4, vm0, $0xb8;
	[tilespmem:$0x18200] =	vst v63  }
0x212: {  	_ = 	snop  }
0x213: {  	[tilespmem:s13], [sflag:$0x2] =	stream.indirect_vreg.gather [hbm4b:s7+s3], $0x80, v4, vm0, $0xb8;
	[tilespmem:$0x18200] =	vst v63  }
0x214: {  	s28 =	simm.s32 $0xA200  }
0x215: {  	[tilespmem:s28], [sflag:$0x2] =	stream.indirect_vreg.gather [hbm4b:s2+s3], $0x80, v3, vm0, $0xb8;
	[tilespmem:$0x18200] =	vst v63  }
0x216: {  	s13 =	simm.s32 $0xAA00  }
0x217: {  	[tilespmem:s13], [sflag:$0x2] =	stream.indirect_vreg.gather [hbm4b:s5+s3], $0x80, v3, vm0, $0xb8;
	[tilespmem:$0x18200] =	vst v63  }
0x218: {  	_ = 	snop  }
0x219: {  	[tilespmem:s16], [sflag:$0x2] =	stream.indirect_vreg.gather [hbm4b:s6+s3], $0x80, v3, vm0, $0xb8;
	[tilespmem:$0x18200] =	vst v63  }
0x21a: {  	s28 =	simm.s32 $0xBA00  }
0x21b: {  	[tilespmem:s28], [sflag:$0x2] =	stream.indirect_vreg.gather [hbm4b:s7+s3], $0x80, v3, vm0, $0xb8;
	[tilespmem:$0x18200] =	vst v63  }
0x21c: {  	v3 =	vld [tilespmem:$0x150];
	_ =	sdelay $0x4  }
0x21d: {  	v53 =	vshll.u32 v3, $0x3  }
0x21e: {  	v3 =	vand.u32 $0x7, v3;
	v4 =	vand.u32 $0xFFFFFFC0, v53  }
0x21f: {  	v3 =	vor.u32 v3, v4  }
0x220: {  	v4 =	vperm.xlane v3, v0;
	_ =	sdelay $0x1  }
0x221: {  	v4 =	vadd.s32 v1, v4;
	_ =	sdelay $0x3  }
0x222: {  	s13 =	simm.s32 $0xC200  }
0x223: {  	[tilespmem:s13], [sflag:$0x2] =	stream.indirect_vreg.gather [hbm4b:s2+s3], $0x80, v4, vm0, $0xb8;
	[tilespmem:$0x18200] =	vst v63  }
0x224: {  	s16 =	simm.s32 $0xCA00;
	v3 =	vperm.xlane v3, v2  }
0x225: {  	[tilespmem:s16], [sflag:$0x2] =	stream.indirect_vreg.gather [hbm4b:s5+s3], $0x80, v4, vm0, $0xb8;
	[tilespmem:$0x18200] =	vst v63  }
0x226: {  	v3 =	vadd.s32 v1, v3  }
0x227: {  	[tilespmem:s17], [sflag:$0x2] =	stream.indirect_vreg.gather [hbm4b:s6+s3], $0x80, v4, vm0, $0xb8;
	[tilespmem:$0x18200] =	vst v63  }
0x228: {  	_ = 	snop  }
0x229: {  	[tilespmem:s18], [sflag:$0x2] =	stream.indirect_vreg.gather [hbm4b:s7+s3], $0x80, v4, vm0, $0xb8;
	[tilespmem:$0x18200] =	vst v63  }
0x22a: {  	_ = 	snop  }
0x22b: {  	[tilespmem:s19], [sflag:$0x2] =	stream.indirect_vreg.gather [hbm4b:s2+s3], $0x80, v3, vm0, $0xb8;
	[tilespmem:$0x18200] =	vst v63  }
0x22c: {  	_ = 	snop  }
0x22d: {  	[tilespmem:s20], [sflag:$0x2] =	stream.indirect_vreg.gather [hbm4b:s5+s3], $0x80, v3, vm0, $0xb8;
	[tilespmem:$0x18200] =	vst v63  }
0x22e: {  	_ = 	snop  }
0x22f: {  	[tilespmem:s26], [sflag:$0x2] =	stream.indirect_vreg.gather [hbm4b:s6+s3], $0x80, v3, vm0, $0xb8;
	[tilespmem:$0x18200] =	vst v63  }
0x230: {  	s28 =	simm.s32 $0xFA00  }
0x231: {  	[tilespmem:s28], [sflag:$0x2] =	stream.indirect_vreg.gather [hbm4b:s7+s3], $0x80, v3, vm0, $0xb8;
	[tilespmem:$0x18200] =	vst v63  }
0x232: {  	_ =	swait.ge [sflag:s0], $0x8000  }
0x233: {  	[sflag:s0] =	ssyncset.done $0x0  }
0x234: {  	s16 =	simm.s32 $0x10200;
	s13 =	rddreg [dreg:$0xc];
	[sflag:s0] =	ssyncadd.s32 $0xFFFF8000  }
0x235: {  	[hbm4b:s13+s3] =	stream.linear.scatter [tilespmem:s16], [sflag:$0x6], $0x8000, $0x38;
	[tilespmem:$0x18200] =	vst v63  }
0x236: {  	_ =	swait.ge [sflag:s4], $0x8000  }
0x237: {  	[sflag:s4] =	ssyncset.done $0x0  }
0x238: {  	[sflag:s4] =	ssyncadd.s32 $0xFFFF8000  }
0x239: {  	v3 =	vld [tilespmem:$0x160];
	_ =	sdelay $0x4  }
0x23a: {  	v54 =	vshll.u32 v3, $0x3  }
0x23b: {  	v3 =	vand.u32 $0x7, v3;
	v4 =	vand.u32 $0xFFFFFFC0, v54  }
0x23c: {  	v3 =	vor.u32 v3, v4  }
0x23d: {  	v4 =	vperm.xlane v3, v0;
	_ =	sdelay $0x1  }
0x23e: {  	v4 =	vadd.s32 v1, v4;
	_ =	sdelay $0x4  }
0x23f: {  	[tilespmem:s16], [sflag:$0x3] =	stream.indirect_vreg.gather [hbm4b:s2+s3], $0x80, v4, vm0, $0xb8;
	[tilespmem:$0x18200] =	vst v63  }
0x240: {  	s13 =	simm.s32 $0x10A00;
	v3 =	vperm.xlane v3, v2  }
0x241: {  	[tilespmem:s13], [sflag:$0x3] =	stream.indirect_vreg.gather [hbm4b:s5+s3], $0x80, v4, vm0, $0xb8;
	[tilespmem:$0x18200] =	vst v63  }
0x242: {  	v3 =	vadd.s32 v1, v3;
	s13 =	simm.s32 $0x11200  }
0x243: {  	[tilespmem:s13], [sflag:$0x3] =	stream.indirect_vreg.gather [hbm4b:s6+s3], $0x80, v4, vm0, $0xb8;
	[tilespmem:$0x18200] =	vst v63  }
0x244: {  	s9 =	simm.s32 $0x11A00  }
0x245: {  	[tilespmem:s9], [sflag:$0x3] =	stream.indirect_vreg.gather [hbm4b:s7+s3], $0x80, v4, vm0, $0xb8;
	[tilespmem:$0x18200] =	vst v63  }
0x246: {  	s28 =	simm.s32 $0x12200  }
0x247: {  	[tilespmem:s28], [sflag:$0x3] =	stream.indirect_vreg.gather [hbm4b:s2+s3], $0x80, v3, vm0, $0xb8;
	[tilespmem:$0x18200] =	vst v63  }
0x248: {  	s28 =	simm.s32 $0x12A00  }
0x249: {  	[tilespmem:s28], [sflag:$0x3] =	stream.indirect_vreg.gather [hbm4b:s5+s3], $0x80, v3, vm0, $0xb8;
	[tilespmem:$0x18200] =	vst v63  }
0x24a: {  	s28 =	simm.s32 $0x13200  }
0x24b: {  	[tilespmem:s28], [sflag:$0x3] =	stream.indirect_vreg.gather [hbm4b:s6+s3], $0x80, v3, vm0, $0xb8;
	[tilespmem:$0x18200] =	vst v63  }
0x24c: {  	_ = 	snop  }
0x24d: {  	[tilespmem:s12], [sflag:$0x3] =	stream.indirect_vreg.gather [hbm4b:s7+s3], $0x80, v3, vm0, $0xb8;
	[tilespmem:$0x18200] =	vst v63  }
0x24e: {  	v3 =	vld [tilespmem:$0x170];
	_ =	sdelay $0x4  }
0x24f: {  	v55 =	vshll.u32 v3, $0x3  }
0x250: {  	v3 =	vand.u32 $0x7, v3;
	v4 =	vand.u32 $0xFFFFFFC0, v55  }
0x251: {  	v3 =	vor.u32 v3, v4  }
0x252: {  	v4 =	vperm.xlane v3, v0;
	_ =	sdelay $0x1  }
0x253: {  	v4 =	vadd.s32 v1, v4;
	_ =	sdelay $0x3  }
0x254: {  	s28 =	simm.s32 $0x14200  }
0x255: {  	[tilespmem:s28], [sflag:$0x3] =	stream.indirect_vreg.gather [hbm4b:s2+s3], $0x80, v4, vm0, $0xb8;
	[tilespmem:$0x18200] =	vst v63  }
0x256: {  	v3 =	vperm.xlane v3, v2  }
0x257: {  	[tilespmem:s14], [sflag:$0x3] =	stream.indirect_vreg.gather [hbm4b:s5+s3], $0x80, v4, vm0, $0xb8;
	[tilespmem:$0x18200] =	vst v63  }
0x258: {  	v3 =	vadd.s32 v1, v3;
	s28 =	simm.s32 $0x15200  }
0x259: {  	[tilespmem:s28], [sflag:$0x3] =	stream.indirect_vreg.gather [hbm4b:s6+s3], $0x80, v4, vm0, $0xb8;
	[tilespmem:$0x18200] =	vst v63  }
0x25a: {  	s28 =	simm.s32 $0x15A00  }
0x25b: {  	[tilespmem:s28], [sflag:$0x3] =	stream.indirect_vreg.gather [hbm4b:s7+s3], $0x80, v4, vm0, $0xb8;
	[tilespmem:$0x18200] =	vst v63  }
0x25c: {  	s28 =	simm.s32 $0x16200  }
0x25d: {  	[tilespmem:s28], [sflag:$0x3] =	stream.indirect_vreg.gather [hbm4b:s2+s3], $0x80, v3, vm0, $0xb8;
	[tilespmem:$0x18200] =	vst v63  }
0x25e: {  	_ = 	snop  }
0x25f: {  	[tilespmem:s11], [sflag:$0x3] =	stream.indirect_vreg.gather [hbm4b:s5+s3], $0x80, v3, vm0, $0xb8;
	[tilespmem:$0x18200] =	vst v63  }
0x260: {  	s28 =	simm.s32 $0x17200  }
0x261: {  	[tilespmem:s28], [sflag:$0x3] =	stream.indirect_vreg.gather [hbm4b:s6+s3], $0x80, v3, vm0, $0xb8;
	[tilespmem:$0x18200] =	vst v63  }
0x262: {  	_ = 	snop  }
0x263: {  	[tilespmem:s15], [sflag:$0x3] =	stream.indirect_vreg.gather [hbm4b:s7+s3], $0x80, v3, vm0, $0xb8;
	[tilespmem:$0x18200] =	vst v63  }
0x264: {  	_ =	swait.ge [sflag:s29], $0x8000  }
0x265: {  	[sflag:s29] =	ssyncset.done $0x0  }
0x266: {  	s8 =	simm.s32 $0x200;
	s15 =	rddreg [dreg:$0xd];
	[sflag:s29] =	ssyncadd.s32 $0xFFFF8000  }
0x267: {  	[hbm4b:s15+s3] =	stream.linear.scatter [tilespmem:s8], [sflag:$0x4], $0x8000, $0x38;
	[tilespmem:$0x18200] =	vst v63  }
0x268: {  	_ =	swait.ge [sflag:s30], $0x8000  }
0x269: {  	[sflag:s30] =	ssyncset.done $0x0  }
0x26a: {  	[sflag:s30] =	ssyncadd.s32 $0xFFFF8000  }
0x26b: {  	v3 =	vld [tilespmem:$0x180];
	_ =	sdelay $0x4  }
0x26c: {  	v56 =	vshll.u32 v3, $0x3  }
0x26d: {  	v3 =	vand.u32 $0x7, v3;
	v4 =	vand.u32 $0xFFFFFFC0, v56  }
0x26e: {  	v3 =	vor.u32 v3, v4  }
0x26f: {  	v4 =	vperm.xlane v3, v0;
	_ =	sdelay $0x1  }
0x270: {  	v4 =	vadd.s32 v1, v4;
	_ =	sdelay $0x4  }
0x271: {  	[tilespmem:s8], [sflag:$0x1] =	stream.indirect_vreg.gather [hbm4b:s2+s3], $0x80, v4, vm0, $0xb8;
	[tilespmem:$0x18200] =	vst v63  }
0x272: {  	s28 =	simm.s32 $0xA00;
	v3 =	vperm.xlane v3, v2  }
0x273: {  	[tilespmem:s28], [sflag:$0x1] =	stream.indirect_vreg.gather [hbm4b:s5+s3], $0x80, v4, vm0, $0xb8;
	[tilespmem:$0x18200] =	vst v63  }
0x274: {  	v3 =	vadd.s32 v1, v3  }
0x275: {  	[tilespmem:s21], [sflag:$0x1] =	stream.indirect_vreg.gather [hbm4b:s6+s3], $0x80, v4, vm0, $0xb8;
	[tilespmem:$0x18200] =	vst v63  }
0x276: {  	_ = 	snop  }
0x277: {  	[tilespmem:s22], [sflag:$0x1] =	stream.indirect_vreg.gather [hbm4b:s7+s3], $0x80, v4, vm0, $0xb8;
	[tilespmem:$0x18200] =	vst v63  }
0x278: {  	_ = 	snop  }
0x279: {  	[tilespmem:s23], [sflag:$0x1] =	stream.indirect_vreg.gather [hbm4b:s2+s3], $0x80, v3, vm0, $0xb8;
	[tilespmem:$0x18200] =	vst v63  }
0x27a: {  	_ = 	snop  }
0x27b: {  	[tilespmem:s24], [sflag:$0x1] =	stream.indirect_vreg.gather [hbm4b:s5+s3], $0x80, v3, vm0, $0xb8;
	[tilespmem:$0x18200] =	vst v63  }
0x27c: {  	_ = 	snop  }
0x27d: {  	[tilespmem:s25], [sflag:$0x1] =	stream.indirect_vreg.gather [hbm4b:s6+s3], $0x80, v3, vm0, $0xb8;
	[tilespmem:$0x18200] =	vst v63  }
0x27e: {  	s8 =	simm.s32 $0x3A00  }
0x27f: {  	[tilespmem:s8], [sflag:$0x1] =	stream.indirect_vreg.gather [hbm4b:s7+s3], $0x80, v3, vm0, $0xb8;
	[tilespmem:$0x18200] =	vst v63  }
0x280: {  	v3 =	vld [tilespmem:$0x190];
	_ =	sdelay $0x4  }
0x281: {  	v57 =	vshll.u32 v3, $0x3  }
0x282: {  	v3 =	vand.u32 $0x7, v3;
	v4 =	vand.u32 $0xFFFFFFC0, v57  }
0x283: {  	v3 =	vor.u32 v3, v4  }
0x284: {  	v4 =	vperm.xlane v3, v0;
	_ =	sdelay $0x1  }
0x285: {  	v4 =	vadd.s32 v1, v4;
	_ =	sdelay $0x3  }
0x286: {  	s28 =	simm.s32 $0x4200  }
0x287: {  	[tilespmem:s28], [sflag:$0x1] =	stream.indirect_vreg.gather [hbm4b:s2+s3], $0x80, v4, vm0, $0xb8;
	[tilespmem:$0x18200] =	vst v63  }
0x288: {  	s8 =	simm.s32 $0x4A00;
	v3 =	vperm.xlane v3, v2  }
0x289: {  	[tilespmem:s8], [sflag:$0x1] =	stream.indirect_vreg.gather [hbm4b:s5+s3], $0x80, v4, vm0, $0xb8;
	[tilespmem:$0x18200] =	vst v63  }
0x28a: {  	v3 =	vadd.s32 v1, v3;
	s28 =	simm.s32 $0x5200  }
0x28b: {  	[tilespmem:s28], [sflag:$0x1] =	stream.indirect_vreg.gather [hbm4b:s6+s3], $0x80, v4, vm0, $0xb8;
	[tilespmem:$0x18200] =	vst v63  }
0x28c: {  	s8 =	simm.s32 $0x5A00  }
0x28d: {  	[tilespmem:s8], [sflag:$0x1] =	stream.indirect_vreg.gather [hbm4b:s7+s3], $0x80, v4, vm0, $0xb8;
	[tilespmem:$0x18200] =	vst v63  }
0x28e: {  	s8 =	simm.s32 $0x6200  }
0x28f: {  	[tilespmem:s8], [sflag:$0x1] =	stream.indirect_vreg.gather [hbm4b:s2+s3], $0x80, v3, vm0, $0xb8;
	[tilespmem:$0x18200] =	vst v63  }
0x290: {  	s8 =	simm.s32 $0x6A00  }
0x291: {  	[tilespmem:s8], [sflag:$0x1] =	stream.indirect_vreg.gather [hbm4b:s5+s3], $0x80, v3, vm0, $0xb8;
	[tilespmem:$0x18200] =	vst v63  }
0x292: {  	s8 =	simm.s32 $0x7200  }
0x293: {  	[tilespmem:s8], [sflag:$0x1] =	stream.indirect_vreg.gather [hbm4b:s6+s3], $0x80, v3, vm0, $0xb8;
	[tilespmem:$0x18200] =	vst v63  }
0x294: {  	s8 =	simm.s32 $0x7A00  }
0x295: {  	[tilespmem:s8], [sflag:$0x1] =	stream.indirect_vreg.gather [hbm4b:s7+s3], $0x80, v3, vm0, $0xb8;
	[tilespmem:$0x18200] =	vst v63  }
0x296: {  	_ =	swait.ge [sflag:s10], $0x8000  }
0x297: {  	[sflag:s10] =	ssyncset.done $0x0  }
0x298: {  	s8 =	simm.s32 $0x8200;
	s28 =	rddreg [dreg:$0xe];
	[sflag:s10] =	ssyncadd.s32 $0xFFFF8000  }
0x299: {  	[hbm4b:s28+s3] =	stream.linear.scatter [tilespmem:s8], [sflag:$0x5], $0x8000, $0x38;
	[tilespmem:$0x18200] =	vst v63  }
0x29a: {  	_ =	swait.ge [sflag:s1], $0x8000  }
0x29b: {  	[sflag:s1] =	ssyncset.done $0x0  }
0x29c: {  	[sflag:s1] =	ssyncadd.s32 $0xFFFF8000  }
0x29d: {  	v3 =	vld [tilespmem:$0x1A0];
	_ =	sdelay $0x4  }
0x29e: {  	v58 =	vshll.u32 v3, $0x3  }
0x29f: {  	v3 =	vand.u32 $0x7, v3;
	v4 =	vand.u32 $0xFFFFFFC0, v58  }
0x2a0: {  	v3 =	vor.u32 v3, v4  }
0x2a1: {  	v4 =	vperm.xlane v3, v0;
	_ =	sdelay $0x1  }
0x2a2: {  	v4 =	vadd.s32 v1, v4;
	_ =	sdelay $0x4  }
0x2a3: {  	[tilespmem:s8], [sflag:$0x2] =	stream.indirect_vreg.gather [hbm4b:s2+s3], $0x80, v4, vm0, $0xb8;
	[tilespmem:$0x18200] =	vst v63  }
0x2a4: {  	s31 =	simm.s32 $0x8A00;
	v3 =	vperm.xlane v3, v2  }
0x2a5: {  	[tilespmem:s31], [sflag:$0x2] =	stream.indirect_vreg.gather [hbm4b:s5+s3], $0x80, v4, vm0, $0xb8;
	[tilespmem:$0x18200] =	vst v63  }
0x2a6: {  	v3 =	vadd.s32 v1, v3;
	s31 =	simm.s32 $0x9200  }
0x2a7: {  	[tilespmem:s31], [sflag:$0x2] =	stream.indirect_vreg.gather [hbm4b:s6+s3], $0x80, v4, vm0, $0xb8;
	[tilespmem:$0x18200] =	vst v63  }
0x2a8: {  	s31 =	simm.s32 $0x9A00  }
0x2a9: {  	[tilespmem:s31], [sflag:$0x2] =	stream.indirect_vreg.gather [hbm4b:s7+s3], $0x80, v4, vm0, $0xb8;
	[tilespmem:$0x18200] =	vst v63  }
0x2aa: {  	s31 =	simm.s32 $0xA200  }
0x2ab: {  	[tilespmem:s31], [sflag:$0x2] =	stream.indirect_vreg.gather [hbm4b:s2+s3], $0x80, v3, vm0, $0xb8;
	[tilespmem:$0x18200] =	vst v63  }
0x2ac: {  	s31 =	simm.s32 $0xAA00  }
0x2ad: {  	[tilespmem:s31], [sflag:$0x2] =	stream.indirect_vreg.gather [hbm4b:s5+s3], $0x80, v3, vm0, $0xb8;
	[tilespmem:$0x18200] =	vst v63  }
0x2ae: {  	s31 =	simm.s32 $0xB200  }
0x2af: {  	[tilespmem:s31], [sflag:$0x2] =	stream.indirect_vreg.gather [hbm4b:s6+s3], $0x80, v3, vm0, $0xb8;
	[tilespmem:$0x18200] =	vst v63  }
0x2b0: {  	s31 =	simm.s32 $0xBA00  }
0x2b1: {  	[tilespmem:s31], [sflag:$0x2] =	stream.indirect_vreg.gather [hbm4b:s7+s3], $0x80, v3, vm0, $0xb8;
	[tilespmem:$0x18200] =	vst v63  }
0x2b2: {  	v3 =	vld [tilespmem:$0x1B0];
	_ =	sdelay $0x4  }
0x2b3: {  	v59 =	vshll.u32 v3, $0x3  }
0x2b4: {  	v3 =	vand.u32 $0x7, v3;
	v4 =	vand.u32 $0xFFFFFFC0, v59  }
0x2b5: {  	v3 =	vor.u32 v3, v4  }
0x2b6: {  	v4 =	vperm.xlane v3, v0;
	_ =	sdelay $0x1  }
0x2b7: {  	v4 =	vadd.s32 v1, v4;
	_ =	sdelay $0x3  }
0x2b8: {  	s31 =	simm.s32 $0xC200  }
0x2b9: {  	[tilespmem:s31], [sflag:$0x2] =	stream.indirect_vreg.gather [hbm4b:s2+s3], $0x80, v4, vm0, $0xb8;
	[tilespmem:$0x18200] =	vst v63  }
0x2ba: {  	v3 =	vperm.xlane v3, v2;
	s31 =	simm.s32 $0xCA00  }
0x2bb: {  	[tilespmem:s31], [sflag:$0x2] =	stream.indirect_vreg.gather [hbm4b:s5+s3], $0x80, v4, vm0, $0xb8;
	[tilespmem:$0x18200] =	vst v63  }
0x2bc: {  	s17 =	simm.s32 $0xD200;
	v3 =	vadd.s32 v1, v3  }
0x2bd: {  	[tilespmem:s17], [sflag:$0x2] =	stream.indirect_vreg.gather [hbm4b:s6+s3], $0x80, v4, vm0, $0xb8;
	[tilespmem:$0x18200] =	vst v63  }
0x2be: {  	s18 =	simm.s32 $0xDA00  }
0x2bf: {  	[tilespmem:s18], [sflag:$0x2] =	stream.indirect_vreg.gather [hbm4b:s7+s3], $0x80, v4, vm0, $0xb8;
	[tilespmem:$0x18200] =	vst v63  }
0x2c0: {  	s19 =	simm.s32 $0xE200  }
0x2c1: {  	[tilespmem:s19], [sflag:$0x2] =	stream.indirect_vreg.gather [hbm4b:s2+s3], $0x80, v3, vm0, $0xb8;
	[tilespmem:$0x18200] =	vst v63  }
0x2c2: {  	s20 =	simm.s32 $0xEA00  }
0x2c3: {  	[tilespmem:s20], [sflag:$0x2] =	stream.indirect_vreg.gather [hbm4b:s5+s3], $0x80, v3, vm0, $0xb8;
	[tilespmem:$0x18200] =	vst v63  }
0x2c4: {  	s26 =	simm.s32 $0xF200  }
0x2c5: {  	[tilespmem:s26], [sflag:$0x2] =	stream.indirect_vreg.gather [hbm4b:s6+s3], $0x80, v3, vm0, $0xb8;
	[tilespmem:$0x18200] =	vst v63  }
0x2c6: {  	s20 =	simm.s32 $0xFA00  }
0x2c7: {  	[tilespmem:s20], [sflag:$0x2] =	stream.indirect_vreg.gather [hbm4b:s7+s3], $0x80, v3, vm0, $0xb8;
	[tilespmem:$0x18200] =	vst v63  }
0x2c8: {  	_ =	swait.ge [sflag:s0], $0x8000  }
0x2c9: {  	[sflag:s0] =	ssyncset.done $0x0  }
0x2ca: {  	s16 =	simm.s32 $0x10200;
	s26 =	rddreg [dreg:$0xf];
	[sflag:s0] =	ssyncadd.s32 $0xFFFF8000  }
0x2cb: {  	[hbm4b:s26+s3] =	stream.linear.scatter [tilespmem:s16], [sflag:$0x6], $0x8000, $0x38;
	[tilespmem:$0x18200] =	vst v63  }
0x2cc: {  	_ =	swait.ge [sflag:s4], $0x8000  }
0x2cd: {  	[sflag:s4] =	ssyncset.done $0x0  }
0x2ce: {  	[sflag:s4] =	ssyncadd.s32 $0xFFFF8000  }
0x2cf: {  	v3 =	vld [tilespmem:$0x1C0];
	_ =	sdelay $0x4  }
0x2d0: {  	v60 =	vshll.u32 v3, $0x3  }
0x2d1: {  	v3 =	vand.u32 $0x7, v3;
	v4 =	vand.u32 $0xFFFFFFC0, v60  }
0x2d2: {  	v3 =	vor.u32 v3, v4  }
0x2d3: {  	v4 =	vperm.xlane v3, v0;
	_ =	sdelay $0x1  }
0x2d4: {  	v4 =	vadd.s32 v1, v4;
	_ =	sdelay $0x4  }
0x2d5: {  	[tilespmem:s16], [sflag:$0x3] =	stream.indirect_vreg.gather [hbm4b:s2+s3], $0x80, v4, vm0, $0xb8;
	[tilespmem:$0x18200] =	vst v63  }
0x2d6: {  	s28 =	simm.s32 $0x10A00;
	v3 =	vperm.xlane v3, v2  }
0x2d7: {  	[tilespmem:s28], [sflag:$0x3] =	stream.indirect_vreg.gather [hbm4b:s5+s3], $0x80, v4, vm0, $0xb8;
	[tilespmem:$0x18200] =	vst v63  }
0x2d8: {  	v3 =	vadd.s32 v1, v3  }
0x2d9: {  	[tilespmem:s13], [sflag:$0x3] =	stream.indirect_vreg.gather [hbm4b:s6+s3], $0x80, v4, vm0, $0xb8;
	[tilespmem:$0x18200] =	vst v63  }
0x2da: {  	_ = 	snop  }
0x2db: {  	[tilespmem:s9], [sflag:$0x3] =	stream.indirect_vreg.gather [hbm4b:s7+s3], $0x80, v4, vm0, $0xb8;
	[tilespmem:$0x18200] =	vst v63  }
0x2dc: {  	s31 =	simm.s32 $0x12200  }
0x2dd: {  	[tilespmem:s31], [sflag:$0x3] =	stream.indirect_vreg.gather [hbm4b:s2+s3], $0x80, v3, vm0, $0xb8;
	[tilespmem:$0x18200] =	vst v63  }
0x2de: {  	s13 =	simm.s32 $0x12A00  }
0x2df: {  	[tilespmem:s13], [sflag:$0x3] =	stream.indirect_vreg.gather [hbm4b:s5+s3], $0x80, v3, vm0, $0xb8;
	[tilespmem:$0x18200] =	vst v63  }
0x2e0: {  	s17 =	simm.s32 $0x13200  }
0x2e1: {  	[tilespmem:s17], [sflag:$0x3] =	stream.indirect_vreg.gather [hbm4b:s6+s3], $0x80, v3, vm0, $0xb8;
	[tilespmem:$0x18200] =	vst v63  }
0x2e2: {  	s18 =	simm.s32 $0x13A00  }
0x2e3: {  	[tilespmem:s18], [sflag:$0x3] =	stream.indirect_vreg.gather [hbm4b:s7+s3], $0x80, v3, vm0, $0xb8;
	[tilespmem:$0x18200] =	vst v63  }
0x2e4: {  	v3 =	vld [tilespmem:$0x1D0];
	_ =	sdelay $0x4  }
0x2e5: {  	v61 =	vshll.u32 v3, $0x3  }
0x2e6: {  	v3 =	vand.u32 $0x7, v3;
	v4 =	vand.u32 $0xFFFFFFC0, v61  }
0x2e7: {  	v3 =	vor.u32 v3, v4  }
0x2e8: {  	v4 =	vperm.xlane v3, v0;
	_ =	sdelay $0x1  }
0x2e9: {  	v4 =	vadd.s32 v1, v4;
	_ =	sdelay $0x3  }
0x2ea: {  	s12 =	simm.s32 $0x14200  }
0x2eb: {  	[tilespmem:s12], [sflag:$0x3] =	stream.indirect_vreg.gather [hbm4b:s2+s3], $0x80, v4, vm0, $0xb8;
	[tilespmem:$0x18200] =	vst v63  }
0x2ec: {  	s14 =	simm.s32 $0x14A00;
	v3 =	vperm.xlane v3, v2  }
0x2ed: {  	[tilespmem:s14], [sflag:$0x3] =	stream.indirect_vreg.gather [hbm4b:s5+s3], $0x80, v4, vm0, $0xb8;
	[tilespmem:$0x18200] =	vst v63  }
0x2ee: {  	s19 =	simm.s32 $0x15200;
	v3 =	vadd.s32 v1, v3  }
0x2ef: {  	[tilespmem:s19], [sflag:$0x3] =	stream.indirect_vreg.gather [hbm4b:s6+s3], $0x80, v4, vm0, $0xb8;
	[tilespmem:$0x18200] =	vst v63  }
0x2f0: {  	s20 =	simm.s32 $0x15A00  }
0x2f1: {  	[tilespmem:s20], [sflag:$0x3] =	stream.indirect_vreg.gather [hbm4b:s7+s3], $0x80, v4, vm0, $0xb8;
	[tilespmem:$0x18200] =	vst v63  }
0x2f2: {  	s26 =	simm.s32 $0x16200  }
0x2f3: {  	[tilespmem:s26], [sflag:$0x3] =	stream.indirect_vreg.gather [hbm4b:s2+s3], $0x80, v3, vm0, $0xb8;
	[tilespmem:$0x18200] =	vst v63  }
0x2f4: {  	s11 =	simm.s32 $0x16A00  }
0x2f5: {  	[tilespmem:s11], [sflag:$0x3] =	stream.indirect_vreg.gather [hbm4b:s5+s3], $0x80, v3, vm0, $0xb8;
	[tilespmem:$0x18200] =	vst v63  }
0x2f6: {  	s28 =	simm.s32 $0x17200  }
0x2f7: {  	[tilespmem:s28], [sflag:$0x3] =	stream.indirect_vreg.gather [hbm4b:s6+s3], $0x80, v3, vm0, $0xb8;
	[tilespmem:$0x18200] =	vst v63  }
0x2f8: {  	s31 =	simm.s32 $0x17A00  }
0x2f9: {  	[tilespmem:s31], [sflag:$0x3] =	stream.indirect_vreg.gather [hbm4b:s7+s3], $0x80, v3, vm0, $0xb8;
	[tilespmem:$0x18200] =	vst v63  }
0x2fa: {  	_ =	swait.ge [sflag:s29], $0x8000  }
0x2fb: {  	[sflag:s29] =	ssyncset.done $0x0  }
0x2fc: {  	s12 =	simm.s32 $0x200;
	s11 =	rddreg [dreg:$0x10];
	[sflag:s29] =	ssyncadd.s32 $0xFFFF8000  }
0x2fd: {  	[hbm4b:s11+s3] =	stream.linear.scatter [tilespmem:s12], [sflag:$0x4], $0x8000, $0x38;
	[tilespmem:$0x18200] =	vst v63  }
0x2fe: {  	_ =	swait.ge [sflag:s30], $0x8000  }
0x2ff: {  	[sflag:s30] =	ssyncset.done $0x0  }
0x300: {  	[sflag:s30] =	ssyncadd.s32 $0xFFFF8000  }
0x301: {  	v3 =	vld [tilespmem:$0x1E0];
	_ =	sdelay $0x4  }
0x302: {  	v62 =	vshll.u32 v3, $0x3  }
0x303: {  	v3 =	vand.u32 $0x7, v3;
	v4 =	vand.u32 $0xFFFFFFC0, v62  }
0x304: {  	v3 =	vor.u32 v3, v4  }
0x305: {  	v4 =	vperm.xlane v3, v0;
	_ =	sdelay $0x1  }
0x306: {  	v4 =	vadd.s32 v1, v4;
	_ =	sdelay $0x4  }
0x307: {  	[tilespmem:s12], [sflag:$0x1] =	stream.indirect_vreg.gather [hbm4b:s2+s3], $0x80, v4, vm0, $0xb8;
	[tilespmem:$0x18200] =	vst v63  }
0x308: {  	s14 =	simm.s32 $0xA00;
	v3 =	vperm.xlane v3, v2  }
0x309: {  	[tilespmem:s14], [sflag:$0x1] =	stream.indirect_vreg.gather [hbm4b:s5+s3], $0x80, v4, vm0, $0xb8;
	[tilespmem:$0x18200] =	vst v63  }
0x30a: {  	s15 =	simm.s32 $0x1200;
	v3 =	vadd.s32 v1, v3  }
0x30b: {  	[tilespmem:s15], [sflag:$0x1] =	stream.indirect_vreg.gather [hbm4b:s6+s3], $0x80, v4, vm0, $0xb8;
	[tilespmem:$0x18200] =	vst v63  }
0x30c: {  	s21 =	simm.s32 $0x1A00  }
0x30d: {  	[tilespmem:s21], [sflag:$0x1] =	stream.indirect_vreg.gather [hbm4b:s7+s3], $0x80, v4, vm0, $0xb8;
	[tilespmem:$0x18200] =	vst v63  }
0x30e: {  	s22 =	simm.s32 $0x2200  }
0x30f: {  	[tilespmem:s22], [sflag:$0x1] =	stream.indirect_vreg.gather [hbm4b:s2+s3], $0x80, v3, vm0, $0xb8;
	[tilespmem:$0x18200] =	vst v63  }
0x310: {  	s23 =	simm.s32 $0x2A00  }
0x311: {  	[tilespmem:s23], [sflag:$0x1] =	stream.indirect_vreg.gather [hbm4b:s5+s3], $0x80, v3, vm0, $0xb8;
	[tilespmem:$0x18200] =	vst v63  }
0x312: {  	s24 =	simm.s32 $0x3200  }
0x313: {  	[tilespmem:s24], [sflag:$0x1] =	stream.indirect_vreg.gather [hbm4b:s6+s3], $0x80, v3, vm0, $0xb8;
	[tilespmem:$0x18200] =	vst v63  }
0x314: {  	s15 =	simm.s32 $0x3A00  }
0x315: {  	[tilespmem:s15], [sflag:$0x1] =	stream.indirect_vreg.gather [hbm4b:s7+s3], $0x80, v3, vm0, $0xb8;
	[tilespmem:$0x18200] =	vst v63  }
0x316: {  	v3 =	vld [tilespmem:$0x1F0];
	_ =	sdelay $0x4  }
0x317: {  	v63 =	vshll.u32 v3, $0x3  }
0x318: {  	v3 =	vand.u32 $0x7, v3;
	v4 =	vand.u32 $0xFFFFFFC0, v63  }
0x319: {  	v3 =	vor.u32 v3, v4  }
0x31a: {  	v4 =	vperm.xlane v3, v0;
	_ =	sdelay $0x1  }
0x31b: {  	v4 =	vadd.s32 v1, v4;
	_ =	sdelay $0x3  }
0x31c: {  	s17 =	simm.s32 $0x4200  }
0x31d: {  	[tilespmem:s17], [sflag:$0x1] =	stream.indirect_vreg.gather [hbm4b:s2+s3], $0x80, v4, vm0, $0xb8;
	[tilespmem:$0x18200] =	vst v63  }
0x31e: {  	s18 =	simm.s32 $0x4A00;
	v3 =	vperm.xlane v3, v2  }
0x31f: {  	[tilespmem:s18], [sflag:$0x1] =	stream.indirect_vreg.gather [hbm4b:s5+s3], $0x80, v4, vm0, $0xb8;
	[tilespmem:$0x18200] =	vst v63  }
0x320: {  	s25 =	simm.s32 $0x5200;
	v3 =	vadd.s32 v1, v3  }
0x321: {  	[tilespmem:s25], [sflag:$0x1] =	stream.indirect_vreg.gather [hbm4b:s6+s3], $0x80, v4, vm0, $0xb8;
	[tilespmem:$0x18200] =	vst v63  }
0x322: {  	s19 =	simm.s32 $0x5A00  }
0x323: {  	[tilespmem:s19], [sflag:$0x1] =	stream.indirect_vreg.gather [hbm4b:s7+s3], $0x80, v4, vm0, $0xb8;
	[tilespmem:$0x18200] =	vst v63  }
0x324: {  	s20 =	simm.s32 $0x6200  }
0x325: {  	[tilespmem:s20], [sflag:$0x1] =	stream.indirect_vreg.gather [hbm4b:s2+s3], $0x80, v3, vm0, $0xb8;
	[tilespmem:$0x18200] =	vst v63  }
0x326: {  	s21 =	simm.s32 $0x6A00  }
0x327: {  	[tilespmem:s21], [sflag:$0x1] =	stream.indirect_vreg.gather [hbm4b:s5+s3], $0x80, v3, vm0, $0xb8;
	[tilespmem:$0x18200] =	vst v63  }
0x328: {  	s22 =	simm.s32 $0x7200  }
0x329: {  	[tilespmem:s22], [sflag:$0x1] =	stream.indirect_vreg.gather [hbm4b:s6+s3], $0x80, v3, vm0, $0xb8;
	[tilespmem:$0x18200] =	vst v63  }
0x32a: {  	s23 =	simm.s32 $0x7A00  }
0x32b: {  	[tilespmem:s23], [sflag:$0x1] =	stream.indirect_vreg.gather [hbm4b:s7+s3], $0x80, v3, vm0, $0xb8;
	[tilespmem:$0x18200] =	vst v63  }
0x32c: {  	_ =	swait.ge [sflag:s10], $0x8000  }
0x32d: {  	[sflag:s10] =	ssyncset.done $0x0  }
0x32e: {  	s8 =	simm.s32 $0x8200;
	s24 =	rddreg [dreg:$0x11];
	[sflag:s10] =	ssyncadd.s32 $0xFFFF8000  }
0x32f: {  	[hbm4b:s24+s3] =	stream.linear.scatter [tilespmem:s8], [sflag:$0x5], $0x8000, $0x38;
	[tilespmem:$0x18200] =	vst v63  }
0x330: {  	_ =	swait.ge [sflag:s0], $0x8000  }
0x331: {  	[sflag:s0] =	ssyncset.done $0x0  }
0x332: {  	s25 =	rddreg [dreg:$0x12];
	[sflag:s0] =	ssyncadd.s32 $0xFFFF8000  }
0x333: {  	[hbm4b:s25+s3] =	stream.linear.scatter [tilespmem:s16], [sflag:$0x6], $0x8000, $0x38;
	[tilespmem:$0x18200] =	vst v63  }
0x334: {  	_ =	swait.ge [sflag:s29], $0x8000  }
0x335: {  	[sflag:s29] =	ssyncset.done $0x0  }
0x336: {  	s13 =	simm.s32 $0x200;
	s26 =	rddreg [dreg:$0x13];
	[sflag:s29] =	ssyncadd.s32 $0xFFFF8000  }
0x337: {  	[hbm4b:s26+s3] =	stream.linear.scatter [tilespmem:s13], [sflag:$0x4], $0x8000, $0x38;
	[tilespmem:$0x18200] =	vst v63  }
0x338: {  	s31 =	rddreg [dreg:$0x15];
	_ =	swait.ge [sflag:s1], $0x8000  }
0x339: {  	[sflag:s1] =	ssyncset.done $0x0  }
0x33a: {  	[sflag:s1] =	ssyncadd.s32 $0xFFFF8000  }
0x33b: {  	p0 =	sne.s32 s31, $0x1;
	_ =	swait.ge [sflag:s4], $0x8000  }
.Ltmp0:
0x33c: {  	[sflag:s4] =	ssyncset.done $0x0;
	(pc) =	sbr.rel @p0 .LBB2_1-.Ltmp0, $4  }
0x33d: {  	[sflag:s4] =	ssyncadd.s32 $0xFFFF8000  }
0x33e: {  	_ =	swait.ge [sflag:s30], $0x8000  }
0x33f: {  	[sflag:s30] =	ssyncset.done $0x0  }
0x340: {  	s8 =	sadd.s32 $0xFFFFFFFF, s31;
	[sflag:s30] =	ssyncadd.s32 $0xFFFF8000  }
0x341: {  	_ =	sfence.sel $0x180000  }
0x342: {  	[bflag:$0x0] =	sbarrier.arrive $0xFFFF  }
0x343: {  	_ =	strace $0x90000047  }
0x344: {  	s0 =	stileid.u32;
	[bflag:$0x2] =	sbarrier.arrive $0xFFFF  }
0x345: {  	p0 =	sne.s32 s0, $0x0;
	s0 =	rddreg [dreg:$0x3]  }
0x346: {  	s0 =	sadd.s32 @!p0 $0x100000, s0  }
0x347: {  	[sflag:s0] =	ssyncadd.tile.s32 @!p0 $0x1;
	_ =	shalt  }
.Lfunc_end2:
_tile_overlayer_lowered:
.L_overlay_start_2:
0x348: {  	(tag) =	ssettag $0x2  }
0x349: {  	s0 =	rddreg [dreg:$0x0];
	s2 =	stileid.u32  }
0x34a: {  	s1 =	rddreg [dreg:$0x1];
	p0 =	sne.s32 s2, $0x0  }
0x34b: {  	s3 =	rddreg [dreg:$0x2];
	[bflag:$0x3] =	sbarrier.arrive $0xFFFF;
	s2 =	simm.s32 @!p0 $0x1C07  }
0x34c: {  	[timem:s3], [sflag:s2] =	dma.local @!p0 [hbm:s0], s1  }
0x34d: {  	s0 =	simm.s32 @!p0 $0x7  }
0x34e: {  	_ =	swait.ge @!p0 [sflag:s0], s1  }
0x34f: {  	s1 =	ssub.s32 @!p0 $0x0, s1;
	[sflag:s0] =	ssyncset.done @!p0 $0x0  }
0x350: {  	[sflag:s0] =	ssyncadd.s32 @!p0 s1  }
0x351: {  	[bflag:$0x3] =	sbarrier.arrive $0xFFFF  }
0x352: {  	_ =	shalt  }

</sc_bundles>
